<compile_context>
chip_gen: v7x
topology: tpu7x:2x2x1
jax: 0.10.2.dev20260603
libtpu: 0.0.44.dev20260713+nightly
codegen_flags: <defaults>
</compile_context>

<pallas_src>
import functools

import jax
import jax.numpy as jnp
from jax import lax
from jax.experimental import pallas as pl
from jax.experimental.pallas import tpu as pltpu
from jax.experimental.pallas import tpu_sc as plsc

_B = 4
_S = 4096
_D = 1024
_N = _B * _S
_NC = 2
_NS = 16
_NW = _NC * _NS
_RW = _N // _NW
_C = 56
_L = 16

_CHUNKS = [(i * _C, _C) for i in range(_RW // _C)]
_CHUNKS.append(((_RW // _C) * _C, _RW - (_RW // _C) * _C))


def _sc_kernel(tok_hbm, w_hbm, out_hbm, tok_v, idx_v, buf0, buf1, gsem0,
               gsem1, osem0, osem1):
    wid = lax.axis_index("s") * _NC + lax.axis_index("c")
    base = wid * _RW
    pos0 = lax.rem(base, _S) + 1

    pltpu.sync_copy(tok_hbm.at[pl.ds(base, _RW)], tok_v)

    def build_idx(j, _):
        tok = tok_v[pl.ds(j * _L, _L)]
        ramp = lax.iota(jnp.int32, _L) + (pos0 + j * _L)
        idx_v[pl.ds(j * _L, _L)] = jnp.where(tok != 0, ramp, 0)
        return 0

    lax.fori_loop(0, _RW // _L, build_idx, 0)

    bufs = (buf0, buf1)
    gsems = (gsem0, gsem1)
    osems = (osem0, osem1)

    def gather(c):
        off, n = _CHUNKS[c]
        p = c % 2
        return pltpu.async_copy(w_hbm.at[idx_v.at[pl.ds(off, n)]],
                                bufs[p].at[pl.ds(0, n)], gsems[p])

    nchunk = len(_CHUNKS)
    pending = [gather(0), gather(1)]
    out_pending = [None, None]
    for c in range(nchunk):
        off, n = _CHUNKS[c]
        p = c % 2
        pending[p].wait()
        out_pending[p] = pltpu.async_copy(
            bufs[p].at[pl.ds(0, n)], out_hbm.at[pl.ds(base + off, n)],
            osems[p])
        if c + 2 < nchunk:
            out_pending[p].wait()
            pending[p] = gather(c + 2)
    out_pending[0].wait()
    out_pending[1].wait()


@jax.jit
def _run(tok_flat, weights):
    mesh = plsc.VectorSubcoreMesh(core_axis_name="c", subcore_axis_name="s")
    f = functools.partial(
        pl.kernel,
        mesh=mesh,
        compiler_params=pltpu.CompilerParams(use_tc_tiling_on_sc=True),
        out_type=jax.ShapeDtypeStruct((_N, _D), jnp.float32),
        scratch_types=[
            pltpu.VMEM((_RW,), jnp.int32),
            pltpu.VMEM((_RW,), jnp.int32),
            pltpu.VMEM((_C, _D), jnp.float32),
            pltpu.VMEM((_C, _D), jnp.float32),
            pltpu.SemaphoreType.DMA,
            pltpu.SemaphoreType.DMA,
            pltpu.SemaphoreType.DMA,
            pltpu.SemaphoreType.DMA,
        ],
    )(_sc_kernel)
    return f(tok_flat, weights)


def kernel(input, weights):
    tok_flat = input.reshape(-1)
    out = _run(tok_flat, weights)
    return out.reshape(_B, _S, _D)

# --- scband reference (transcript-rebuilt; emitter-appended) ---
"""Pipeline reference for scband-sinusoidal-positional-embedding-82952998354965 (READ-ONLY COPY).

The authoritative reference and input builder live on the scoring server;
editing this copy changes nothing except your own understanding.
"""

import math
import jax, jax.numpy as jnp
import numpy as np

EMBEDDING_DIM = 1024
PADDING_IDX = 0
LEFT_PAD = 0
BATCH = 4
SEQ_LEN = 4096
VOCAB = 32000


def get_embedding(num_embeddings, embedding_dim, padding_idx=None):
    half_dim = embedding_dim // 2
    scale = math.log(10000) / (half_dim - 1)
    freqs = jnp.exp(jnp.arange(half_dim, dtype=jnp.float32) * -scale)
    pos = jnp.arange(num_embeddings, dtype=jnp.float32)
    emb = pos[:, None] * freqs[None, :]
    emb = jnp.concatenate([jnp.sin(emb), jnp.cos(emb)], axis=1).reshape(num_embeddings, -1)
    if embedding_dim % 2 == 1:
        emb = jnp.concatenate([emb, jnp.zeros((num_embeddings, 1), dtype=jnp.float32)], axis=1)
    if padding_idx is not None:
        emb = emb.at[padding_idx].set(0.0)
    return emb


def make_positions(tensor, padding_idx, left_pad):
    seq_len = tensor.shape[1]
    buf = jnp.arange(padding_idx + 1, padding_idx + 1 + seq_len, dtype=jnp.int32)
    mask = tensor != padding_idx
    positions = jnp.broadcast_to(buf[None, :], tensor.shape)
    if left_pad:
        positions = positions - mask.shape[1] + jnp.sum(mask.astype(jnp.int32), axis=1, keepdims=True)
    return jnp.where(mask, positions, padding_idx)


def setup_inputs(seed: int = 0) -> dict:
    key = jax.random.key(seed)
    inp = jax.random.randint(key, (BATCH, SEQ_LEN), 0, VOCAB, dtype=jnp.int32)
    # learned/derived parameter: sinusoidal table sized to cover all positions
    weights = get_embedding(PADDING_IDX + 1 + SEQ_LEN, EMBEDDING_DIM, PADDING_IDX)
    return {"input": inp, "weights": weights}


def reference(input, weights):
    bsz, seq_len = input.shape
    positions = make_positions(input, PADDING_IDX, LEFT_PAD)
    out = jnp.take(weights, positions.reshape(-1), axis=0)
    return out.reshape(bsz, seq_len, -1)

if __name__ == "__main__":
    import jax
    _d = setup_inputs()
    print(jax.jit(kernel)(*tuple(_d.values())))

</pallas_src>

<mosaic_0001>
#map = affine_map<(d0, d1) -> (0)>
#map1 = affine_map<(d0, d1) -> (0, 0)>
module attributes {stable_mosaic.version = 14 : i64} {
  func.func @_sc_kernel(%arg0: i32, %arg1: i32, %arg2: memref<16384xi32, #tpu.memory_space<hbm>>, %arg3: memref<4097x1024xf32, #tpu.memory_space<hbm>>, %arg4: memref<16384x1024xf32, #tpu.memory_space<hbm>>, %arg5: memref<512xi32, #tpu.memory_space<vmem>>, %arg6: memref<512xi32, #tpu.memory_space<vmem>>, %arg7: memref<56x1024xf32, #tpu.memory_space<vmem>>, %arg8: memref<56x1024xf32, #tpu.memory_space<vmem>>, %arg9: memref<!tpu.dma_semaphore, #tpu.memory_space<semaphore_mem>>, %arg10: memref<!tpu.dma_semaphore, #tpu.memory_space<semaphore_mem>>, %arg11: memref<!tpu.dma_semaphore, #tpu.memory_space<semaphore_mem>>, %arg12: memref<!tpu.dma_semaphore, #tpu.memory_space<semaphore_mem>>) attributes {dimension_semantics = [#tpu.dimension_semantics<core_parallel>, #tpu.dimension_semantics<subcore_parallel>], iteration_bounds = array<i64: 2, 16>, scalar_prefetch = 0 : i64, scratch_operands = 8 : i64, tpu.core_type = #tpu.core_type<sc_vector_subcore>, window_params = [{transform_indices = #map}, {transform_indices = #map1}, {transform_indices = #map1}]} {
    %mul3A = arith.constant 2 : i32
    %mul3A_0 = arith.muli %arg1, %mul3A : i32
    %add3A = arith.addi %mul3A_0, %arg0 : i32
    %mul3A_1 = arith.constant 512 : i32
    %mul3A_2 = arith.muli %add3A, %mul3A_1 : i32
    %rem3A = arith.constant 4096 : i32
    %rem3A_3 = arith.remsi %mul3A_2, %rem3A : i32
    %add3A_4 = arith.constant 1 : i32
    %add3A_5 = arith.addi %rem3A_3, %add3A_4 : i32
    "tpu.region"() ({
      %run_scoped3A = tpu.sem_alloc : memref<!tpu.dma_semaphore, #tpu.memory_space<semaphore_mem>>
      %dma_start3A_390 = tpu.memref_slice %arg2[%mul3A_2] : memref<16384xi32, #tpu.memory_space<hbm>> -> memref<512xi32, #tpu.memory_space<hbm>>
      %dma_start3A_391 = tpu.memref_slice %arg2[%mul3A_2] : memref<16384xi32, #tpu.memory_space<hbm>> -> memref<512xi32, #tpu.memory_space<hbm>>
      tpu.enqueue_dma source(%dma_start3A_391 : memref<512xi32, #tpu.memory_space<hbm>>) target(%arg5 : memref<512xi32, #tpu.memory_space<vmem>>) target_semaphore(%run_scoped3A : memref<!tpu.dma_semaphore, #tpu.memory_space<semaphore_mem>>)
      %dma_wait3A_392 = tpu.memref_slice %arg2[%mul3A_2] : memref<16384xi32, #tpu.memory_space<hbm>> -> memref<512xi32, #tpu.memory_space<hbm>>
      %dma_wait3A_393 = tpu.memref_slice %arg2[%mul3A_2] : memref<16384xi32, #tpu.memory_space<hbm>> -> memref<512xi32, #tpu.memory_space<hbm>>
      tpu.wait_dma2 semaphore(%run_scoped3A : memref<!tpu.dma_semaphore, #tpu.memory_space<semaphore_mem>>) src(%dma_wait3A_393 : memref<512xi32, #tpu.memory_space<hbm>>) dst(%arg5 : memref<512xi32, #tpu.memory_space<vmem>>)
      tpu.yield
    }) : () -> ()
    %scan3A = arith.constant 0 : i32
    %scan3A_6 = arith.constant 0 : i32
    %scan3A_7 = arith.constant 32 : i32
    %scan3A_8 = arith.addi %scan3A_6, %scan3A_7 : i32
    %scan3A_9 = arith.constant 1 : i32
    %scan3A_10 = scf.for %scan3A_390 = %scan3A_6 to %scan3A_8 step %scan3A_9 iter_args(%scan3A_391 = %scan3A) -> (i32)  : i32 {
      %mul3A_392 = arith.constant 16 : i32
      %mul3A_393 = arith.muli %scan3A_390, %mul3A_392 : i32
      %get3A = arith.index_cast %mul3A_393 : i32 to index
      %get3A_394 = tpu.vector_load %arg5[%get3A] {strides = array<i32>} : memref<512xi32, #tpu.memory_space<vmem>>, vector<16xi32>,
      %get3A_395 = vector.shape_cast %get3A_394 : vector<16xi32> to vector<16xi32>
      %iota3A = tpu.iota {dimensions = array<i32: 0>} : vector<16xi32>
      %mul3A_396 = arith.constant 16 : i32
      %mul3A_397 = arith.muli %scan3A_390, %mul3A_396 : i32
      %add3A_398 = arith.addi %add3A_5, %mul3A_397 : i32
      %add3A_399 = vector.broadcast %add3A_398 : i32 to vector<16xi32>
      %add3A_400 = arith.addi %iota3A, %add3A_399 : vector<16xi32>
      %ne3A = arith.constant 0 : i32
      %ne3A_401 = vector.broadcast %ne3A : i32 to vector<16xi32>
      %ne3A_402 = arith.cmpi ne, %get3A_395, %ne3A_401 : vector<16xi32>
      %jit3A = arith.constant 0 : i32
      %broadcast_in_dim3A = vector.broadcast %jit3A : i32 to vector<16xi32>
      %select_n3A = arith.select %ne3A_402, %add3A_400, %broadcast_in_dim3A : vector<16xi1>, vector<16xi32>
      %mul3A_403 = arith.constant 16 : i32
      %mul3A_404 = arith.muli %scan3A_390, %mul3A_403 : i32
      %swap3A = arith.index_cast %mul3A_404 : i32 to index
      %swap3A_405 = tpu.vector_load %arg6[%swap3A] {strides = array<i32>} : memref<512xi32, #tpu.memory_space<vmem>>, vector<16xi32>,
      %swap3A_406 = vector.shape_cast %swap3A_405 : vector<16xi32> to vector<16xi32>
      %swap3A_407 = vector.shape_cast %select_n3A : vector<16xi32> to vector<16xi32>
      tpu.vector_store %arg6[%swap3A], %swap3A_407 {strides = array<i32>} : memref<512xi32, #tpu.memory_space<vmem>>, vector<16xi32>,
      %scan3A_408 = arith.constant 0 : i32
      scf.yield %scan3A_408 : i32
    }
    %scan3A_11 = arith.constant 32 : i32
    %dma_start3A = arith.constant 0 : i32
    %dma_start3A_12 = arith.constant 0 : i32
    %dma_start3A_13 = tpu.memref_slice %arg7[%dma_start3A, %dma_start3A_12] : memref<56x1024xf32, #tpu.memory_space<vmem>> -> memref<56x1024xf32, #tpu.memory_space<vmem>>
    %dma_start3A_14 = arith.constant 0 : i32
    %dma_start3A_15 = tpu.memref_slice %arg6[%dma_start3A_14] : memref<512xi32, #tpu.memory_space<vmem>> -> memref<56xi32, #tpu.memory_space<vmem>>
    %dma_start3A_16 = arith.constant 0 : i32
    %dma_start3A_17 = arith.constant 0 : i32
    %dma_start3A_18 = tpu.memref_slice %arg3[%dma_start3A_16, %dma_start3A_17] : memref<4097x1024xf32, #tpu.memory_space<hbm>> -> memref<4097x1024xf32, #tpu.memory_space<hbm>>
    tpu.enqueue_indirect_dma source(%dma_start3A_18 : memref<4097x1024xf32, #tpu.memory_space<hbm>>) target(%dma_start3A_13 : memref<56x1024xf32, #tpu.memory_space<vmem>>) offsets(%dma_start3A_15 : memref<56xi32, #tpu.memory_space<vmem>>) semaphore(%arg9 : memref<!tpu.dma_semaphore, #tpu.memory_space<semaphore_mem>>)
    %dma_start3A_19 = arith.constant 0 : i32
    %dma_start3A_20 = arith.constant 0 : i32
    %dma_start3A_21 = tpu.memref_slice %arg8[%dma_start3A_19, %dma_start3A_20] : memref<56x1024xf32, #tpu.memory_space<vmem>> -> memref<56x1024xf32, #tpu.memory_space<vmem>>
    %dma_start3A_22 = arith.constant 56 : i32
    %dma_start3A_23 = tpu.memref_slice %arg6[%dma_start3A_22] : memref<512xi32, #tpu.memory_space<vmem>> -> memref<56xi32, #tpu.memory_space<vmem>>
    %dma_start3A_24 = arith.constant 0 : i32
    %dma_start3A_25 = arith.constant 0 : i32
    %dma_start3A_26 = tpu.memref_slice %arg3[%dma_start3A_24, %dma_start3A_25] : memref<4097x1024xf32, #tpu.memory_space<hbm>> -> memref<4097x1024xf32, #tpu.memory_space<hbm>>
    tpu.enqueue_indirect_dma source(%dma_start3A_26 : memref<4097x1024xf32, #tpu.memory_space<hbm>>) target(%dma_start3A_21 : memref<56x1024xf32, #tpu.memory_space<vmem>>) offsets(%dma_start3A_23 : memref<56xi32, #tpu.memory_space<vmem>>) semaphore(%arg10 : memref<!tpu.dma_semaphore, #tpu.memory_space<semaphore_mem>>)
    %dma_wait3A = arith.constant 0 : i32
    %dma_wait3A_27 = arith.constant 0 : i32
    %dma_wait3A_28 = tpu.memref_slice %arg7[%dma_wait3A, %dma_wait3A_27] : memref<56x1024xf32, #tpu.memory_space<vmem>> -> memref<56x1024xf32, #tpu.memory_space<vmem>>
    %dma_wait3A_29 = arith.constant 0 : i32
    %dma_wait3A_30 = tpu.memref_slice %arg6[%dma_wait3A_29] : memref<512xi32, #tpu.memory_space<vmem>> -> memref<56xi32, #tpu.memory_space<vmem>>
    %dma_wait3A_31 = arith.constant 0 : i32
    %dma_wait3A_32 = arith.constant 0 : i32
    %dma_wait3A_33 = tpu.memref_slice %arg3[%dma_wait3A_31, %dma_wait3A_32] : memref<4097x1024xf32, #tpu.memory_space<hbm>> -> memref<4097x1024xf32, #tpu.memory_space<hbm>>
    tpu.wait_indirect_dma semaphore(%arg9 : memref<!tpu.dma_semaphore, #tpu.memory_space<semaphore_mem>>) src(%dma_wait3A_33 : memref<4097x1024xf32, #tpu.memory_space<hbm>>) dst(%dma_wait3A_28 : memref<56x1024xf32, #tpu.memory_space<vmem>>)
    %add3A_34 = arith.constant 0 : i32
    %add3A_35 = arith.addi %mul3A_2, %add3A_34 : i32
    %dma_start3A_36 = arith.constant 0 : i32
    %dma_start3A_37 = arith.constant 0 : i32
    %dma_start3A_38 = tpu.memref_slice %arg7[%dma_start3A_36, %dma_start3A_37] : memref<56x1024xf32, #tpu.memory_space<vmem>> -> memref<56x1024xf32, #tpu.memory_space<vmem>>
    %dma_start3A_39 = arith.constant 0 : i32
    %dma_start3A_40 = tpu.memref_slice %arg4[%add3A_35, %dma_start3A_39] : memref<16384x1024xf32, #tpu.memory_space<hbm>> -> memref<56x1024xf32, #tpu.memory_space<hbm>>
    %dma_start3A_41 = arith.constant 0 : i32
    %dma_start3A_42 = tpu.memref_slice %arg4[%add3A_35, %dma_start3A_41] : memref<16384x1024xf32, #tpu.memory_space<hbm>> -> memref<56x1024xf32, #tpu.memory_space<hbm>>
    %dma_start3A_43 = arith.constant 0 : i32
    %dma_start3A_44 = arith.constant 0 : i32
    %dma_start3A_45 = tpu.memref_slice %arg7[%dma_start3A_43, %dma_start3A_44] : memref<56x1024xf32, #tpu.memory_space<vmem>> -> memref<56x1024xf32, #tpu.memory_space<vmem>>
    tpu.enqueue_dma source(%dma_start3A_45 : memref<56x1024xf32, #tpu.memory_space<vmem>>) target(%dma_start3A_42 : memref<56x1024xf32, #tpu.memory_space<hbm>>) target_semaphore(%arg11 : memref<!tpu.dma_semaphore, #tpu.memory_space<semaphore_mem>>)
    %dma_wait3A_46 = arith.constant 0 : i32
    %dma_wait3A_47 = arith.constant 0 : i32
    %dma_wait3A_48 = tpu.memref_slice %arg7[%dma_wait3A_46, %dma_wait3A_47] : memref<56x1024xf32, #tpu.memory_space<vmem>> -> memref<56x1024xf32, #tpu.memory_space<vmem>>
    %dma_wait3A_49 = arith.constant 0 : i32
    %dma_wait3A_50 = tpu.memref_slice %arg4[%add3A_35, %dma_wait3A_49] : memref<16384x1024xf32, #tpu.memory_space<hbm>> -> memref<56x1024xf32, #tpu.memory_space<hbm>>
    %dma_wait3A_51 = arith.constant 0 : i32
    %dma_wait3A_52 = tpu.memref_slice %arg4[%add3A_35, %dma_wait3A_51] : memref<16384x1024xf32, #tpu.memory_space<hbm>> -> memref<56x1024xf32, #tpu.memory_space<hbm>>
    %dma_wait3A_53 = arith.constant 0 : i32
    %dma_wait3A_54 = arith.constant 0 : i32
    %dma_wait3A_55 = tpu.memref_slice %arg7[%dma_wait3A_53, %dma_wait3A_54] : memref<56x1024xf32, #tpu.memory_space<vmem>> -> memref<56x1024xf32, #tpu.memory_space<vmem>>
    tpu.wait_dma2 semaphore(%arg11 : memref<!tpu.dma_semaphore, #tpu.memory_space<semaphore_mem>>) src(%dma_wait3A_55 : memref<56x1024xf32, #tpu.memory_space<vmem>>) dst(%dma_wait3A_52 : memref<56x1024xf32, #tpu.memory_space<hbm>>)
    %dma_start3A_56 = arith.constant 0 : i32
    %dma_start3A_57 = arith.constant 0 : i32
    %dma_start3A_58 = tpu.memref_slice %arg7[%dma_start3A_56, %dma_start3A_57] : memref<56x1024xf32, #tpu.memory_space<vmem>> -> memref<56x1024xf32, #tpu.memory_space<vmem>>
    %dma_start3A_59 = arith.constant 112 : i32
    %dma_start3A_60 = tpu.memref_slice %arg6[%dma_start3A_59] : memref<512xi32, #tpu.memory_space<vmem>> -> memref<56xi32, #tpu.memory_space<vmem>>
    %dma_start3A_61 = arith.constant 0 : i32
    %dma_start3A_62 = arith.constant 0 : i32
    %dma_start3A_63 = tpu.memref_slice %arg3[%dma_start3A_61, %dma_start3A_62] : memref<4097x1024xf32, #tpu.memory_space<hbm>> -> memref<4097x1024xf32, #tpu.memory_space<hbm>>
    tpu.enqueue_indirect_dma source(%dma_start3A_63 : memref<4097x1024xf32, #tpu.memory_space<hbm>>) target(%dma_start3A_58 : memref<56x1024xf32, #tpu.memory_space<vmem>>) offsets(%dma_start3A_60 : memref<56xi32, #tpu.memory_space<vmem>>) semaphore(%arg9 : memref<!tpu.dma_semaphore, #tpu.memory_space<semaphore_mem>>)
    %dma_wait3A_64 = arith.constant 0 : i32
    %dma_wait3A_65 = arith.constant 0 : i32
    %dma_wait3A_66 = tpu.memref_slice %arg8[%dma_wait3A_64, %dma_wait3A_65] : memref<56x1024xf32, #tpu.memory_space<vmem>> -> memref<56x1024xf32, #tpu.memory_space<vmem>>
    %dma_wait3A_67 = arith.constant 56 : i32
    %dma_wait3A_68 = tpu.memref_slice %arg6[%dma_wait3A_67] : memref<512xi32, #tpu.memory_space<vmem>> -> memref<56xi32, #tpu.memory_space<vmem>>
    %dma_wait3A_69 = arith.constant 0 : i32
    %dma_wait3A_70 = arith.constant 0 : i32
    %dma_wait3A_71 = tpu.memref_slice %arg3[%dma_wait3A_69, %dma_wait3A_70] : memref<4097x1024xf32, #tpu.memory_space<hbm>> -> memref<4097x1024xf32, #tpu.memory_space<hbm>>
    tpu.wait_indirect_dma semaphore(%arg10 : memref<!tpu.dma_semaphore, #tpu.memory_space<semaphore_mem>>) src(%dma_wait3A_71 : memref<4097x1024xf32, #tpu.memory_space<hbm>>) dst(%dma_wait3A_66 : memref<56x1024xf32, #tpu.memory_space<vmem>>)
    %add3A_72 = arith.constant 56 : i32
    %add3A_73 = arith.addi %mul3A_2, %add3A_72 : i32
    %dma_start3A_74 = arith.constant 0 : i32
    %dma_start3A_75 = arith.constant 0 : i32
    %dma_start3A_76 = tpu.memref_slice %arg8[%dma_start3A_74, %dma_start3A_75] : memref<56x1024xf32, #tpu.memory_space<vmem>> -> memref<56x1024xf32, #tpu.memory_space<vmem>>
    %dma_start3A_77 = arith.constant 0 : i32
    %dma_start3A_78 = tpu.memref_slice %arg4[%add3A_73, %dma_start3A_77] : memref<16384x1024xf32, #tpu.memory_space<hbm>> -> memref<56x1024xf32, #tpu.memory_space<hbm>>
    %dma_start3A_79 = arith.constant 0 : i32
    %dma_start3A_80 = tpu.memref_slice %arg4[%add3A_73, %dma_start3A_79] : memref<16384x1024xf32, #tpu.memory_space<hbm>> -> memref<56x1024xf32, #tpu.memory_space<hbm>>
    %dma_start3A_81 = arith.constant 0 : i32
    %dma_start3A_82 = arith.constant 0 : i32
    %dma_start3A_83 = tpu.memref_slice %arg8[%dma_start3A_81, %dma_start3A_82] : memref<56x1024xf32, #tpu.memory_space<vmem>> -> memref<56x1024xf32, #tpu.memory_space<vmem>>
    tpu.enqueue_dma source(%dma_start3A_83 : memref<56x1024xf32, #tpu.memory_space<vmem>>) target(%dma_start3A_80 : memref<56x1024xf32, #tpu.memory_space<hbm>>) target_semaphore(%arg12 : memref<!tpu.dma_semaphore, #tpu.memory_space<semaphore_mem>>)
    %dma_wait3A_84 = arith.constant 0 : i32
    %dma_wait3A_85 = arith.constant 0 : i32
    %dma_wait3A_86 = tpu.memref_slice %arg8[%dma_wait3A_84, %dma_wait3A_85] : memref<56x1024xf32, #tpu.memory_space<vmem>> -> memref<56x1024xf32, #tpu.memory_space<vmem>>
    %dma_wait3A_87 = arith.constant 0 : i32
    %dma_wait3A_88 = tpu.memref_slice %arg4[%add3A_73, %dma_wait3A_87] : memref<16384x1024xf32, #tpu.memory_space<hbm>> -> memref<56x1024xf32, #tpu.memory_space<hbm>>
    %dma_wait3A_89 = arith.constant 0 : i32
    %dma_wait3A_90 = tpu.memref_slice %arg4[%add3A_73, %dma_wait3A_89] : memref<16384x1024xf32, #tpu.memory_space<hbm>> -> memref<56x1024xf32, #tpu.memory_space<hbm>>
    %dma_wait3A_91 = arith.constant 0 : i32
    %dma_wait3A_92 = arith.constant 0 : i32
    %dma_wait3A_93 = tpu.memref_slice %arg8[%dma_wait3A_91, %dma_wait3A_92] : memref<56x1024xf32, #tpu.memory_space<vmem>> -> memref<56x1024xf32, #tpu.memory_space<vmem>>
    tpu.wait_dma2 semaphore(%arg12 : memref<!tpu.dma_semaphore, #tpu.memory_space<semaphore_mem>>) src(%dma_wait3A_93 : memref<56x1024xf32, #tpu.memory_space<vmem>>) dst(%dma_wait3A_90 : memref<56x1024xf32, #tpu.memory_space<hbm>>)
    %dma_start3A_94 = arith.constant 0 : i32
    %dma_start3A_95 = arith.constant 0 : i32
    %dma_start3A_96 = tpu.memref_slice %arg8[%dma_start3A_94, %dma_start3A_95] : memref<56x1024xf32, #tpu.memory_space<vmem>> -> memref<56x1024xf32, #tpu.memory_space<vmem>>
    %dma_start3A_97 = arith.constant 168 : i32
    %dma_start3A_98 = tpu.memref_slice %arg6[%dma_start3A_97] : memref<512xi32, #tpu.memory_space<vmem>> -> memref<56xi32, #tpu.memory_space<vmem>>
    %dma_start3A_99 = arith.constant 0 : i32
    %dma_start3A_100 = arith.constant 0 : i32
    %dma_start3A_101 = tpu.memref_slice %arg3[%dma_start3A_99, %dma_start3A_100] : memref<4097x1024xf32, #tpu.memory_space<hbm>> -> memref<4097x1024xf32, #tpu.memory_space<hbm>>
    tpu.enqueue_indirect_dma source(%dma_start3A_101 : memref<4097x1024xf32, #tpu.memory_space<hbm>>) target(%dma_start3A_96 : memref<56x1024xf32, #tpu.memory_space<vmem>>) offsets(%dma_start3A_98 : memref<56xi32, #tpu.memory_space<vmem>>) semaphore(%arg10 : memref<!tpu.dma_semaphore, #tpu.memory_space<semaphore_mem>>)
    %dma_wait3A_102 = arith.constant 0 : i32
    %dma_wait3A_103 = arith.constant 0 : i32
    %dma_wait3A_104 = tpu.memref_slice %arg7[%dma_wait3A_102, %dma_wait3A_103] : memref<56x1024xf32, #tpu.memory_space<vmem>> -> memref<56x1024xf32, #tpu.memory_space<vmem>>
    %dma_wait3A_105 = arith.constant 112 : i32
    %dma_wait3A_106 = tpu.memref_slice %arg6[%dma_wait3A_105] : memref<512xi32, #tpu.memory_space<vmem>> -> memref<56xi32, #tpu.memory_space<vmem>>
    %dma_wait3A_107 = arith.constant 0 : i32
    %dma_wait3A_108 = arith.constant 0 : i32
    %dma_wait3A_109 = tpu.memref_slice %arg3[%dma_wait3A_107, %dma_wait3A_108] : memref<4097x1024xf32, #tpu.memory_space<hbm>> -> memref<4097x1024xf32, #tpu.memory_space<hbm>>
    tpu.wait_indirect_dma semaphore(%arg9 : memref<!tpu.dma_semaphore, #tpu.memory_space<semaphore_mem>>) src(%dma_wait3A_109 : memref<4097x1024xf32, #tpu.memory_space<hbm>>) dst(%dma_wait3A_104 : memref<56x1024xf32, #tpu.memory_space<vmem>>)
    %add3A_110 = arith.constant 112 : i32
    %add3A_111 = arith.addi %mul3A_2, %add3A_110 : i32
    %dma_start3A_112 = arith.constant 0 : i32
    %dma_start3A_113 = arith.constant 0 : i32
    %dma_start3A_114 = tpu.memref_slice %arg7[%dma_start3A_112, %dma_start3A_113] : memref<56x1024xf32, #tpu.memory_space<vmem>> -> memref<56x1024xf32, #tpu.memory_space<vmem>>
    %dma_start3A_115 = arith.constant 0 : i32
    %dma_start3A_116 = tpu.memref_slice %arg4[%add3A_111, %dma_start3A_115] : memref<16384x1024xf32, #tpu.memory_space<hbm>> -> memref<56x1024xf32, #tpu.memory_space<hbm>>
    %dma_start3A_117 = arith.constant 0 : i32
    %dma_start3A_118 = tpu.memref_slice %arg4[%add3A_111, %dma_start3A_117] : memref<16384x1024xf32, #tpu.memory_space<hbm>> -> memref<56x1024xf32, #tpu.memory_space<hbm>>
    %dma_start3A_119 = arith.constant 0 : i32
    %dma_start3A_120 = arith.constant 0 : i32
    %dma_start3A_121 = tpu.memref_slice %arg7[%dma_start3A_119, %dma_start3A_120] : memref<56x1024xf32, #tpu.memory_space<vmem>> -> memref<56x1024xf32, #tpu.memory_space<vmem>>
    tpu.enqueue_dma source(%dma_start3A_121 : memref<56x1024xf32, #tpu.memory_space<vmem>>) target(%dma_start3A_118 : memref<56x1024xf32, #tpu.memory_space<hbm>>) target_semaphore(%arg11 : memref<!tpu.dma_semaphore, #tpu.memory_space<semaphore_mem>>)
    %dma_wait3A_122 = arith.constant 0 : i32
    %dma_wait3A_123 = arith.constant 0 : i32
    %dma_wait3A_124 = tpu.memref_slice %arg7[%dma_wait3A_122, %dma_wait3A_123] : memref<56x1024xf32, #tpu.memory_space<vmem>> -> memref<56x1024xf32, #tpu.memory_space<vmem>>
    %dma_wait3A_125 = arith.constant 0 : i32
    %dma_wait3A_126 = tpu.memref_slice %arg4[%add3A_111, %dma_wait3A_125] : memref<16384x1024xf32, #tpu.memory_space<hbm>> -> memref<56x1024xf32, #tpu.memory_space<hbm>>
    %dma_wait3A_127 = arith.constant 0 : i32
    %dma_wait3A_128 = tpu.memref_slice %arg4[%add3A_111, %dma_wait3A_127] : memref<16384x1024xf32, #tpu.memory_space<hbm>> -> memref<56x1024xf32, #tpu.memory_space<hbm>>
    %dma_wait3A_129 = arith.constant 0 : i32
    %dma_wait3A_130 = arith.constant 0 : i32
    %dma_wait3A_131 = tpu.memref_slice %arg7[%dma_wait3A_129, %dma_wait3A_130] : memref<56x1024xf32, #tpu.memory_space<vmem>> -> memref<56x1024xf32, #tpu.memory_space<vmem>>
    tpu.wait_dma2 semaphore(%arg11 : memref<!tpu.dma_semaphore, #tpu.memory_space<semaphore_mem>>) src(%dma_wait3A_131 : memref<56x1024xf32, #tpu.memory_space<vmem>>) dst(%dma_wait3A_128 : memref<56x1024xf32, #tpu.memory_space<hbm>>)
    %dma_start3A_132 = arith.constant 0 : i32
    %dma_start3A_133 = arith.constant 0 : i32
    %dma_start3A_134 = tpu.memref_slice %arg7[%dma_start3A_132, %dma_start3A_133] : memref<56x1024xf32, #tpu.memory_space<vmem>> -> memref<56x1024xf32, #tpu.memory_space<vmem>>
    %dma_start3A_135 = arith.constant 224 : i32
    %dma_start3A_136 = tpu.memref_slice %arg6[%dma_start3A_135] : memref<512xi32, #tpu.memory_space<vmem>> -> memref<56xi32, #tpu.memory_space<vmem>>
    %dma_start3A_137 = arith.constant 0 : i32
    %dma_start3A_138 = arith.constant 0 : i32
    %dma_start3A_139 = tpu.memref_slice %arg3[%dma_start3A_137, %dma_start3A_138] : memref<4097x1024xf32, #tpu.memory_space<hbm>> -> memref<4097x1024xf32, #tpu.memory_space<hbm>>
    tpu.enqueue_indirect_dma source(%dma_start3A_139 : memref<4097x1024xf32, #tpu.memory_space<hbm>>) target(%dma_start3A_134 : memref<56x1024xf32, #tpu.memory_space<vmem>>) offsets(%dma_start3A_136 : memref<56xi32, #tpu.memory_space<vmem>>) semaphore(%arg9 : memref<!tpu.dma_semaphore, #tpu.memory_space<semaphore_mem>>)
    %dma_wait3A_140 = arith.constant 0 : i32
    %dma_wait3A_141 = arith.constant 0 : i32
    %dma_wait3A_142 = tpu.memref_slice %arg8[%dma_wait3A_140, %dma_wait3A_141] : memref<56x1024xf32, #tpu.memory_space<vmem>> -> memref<56x1024xf32, #tpu.memory_space<vmem>>
    %dma_wait3A_143 = arith.constant 168 : i32
    %dma_wait3A_144 = tpu.memref_slice %arg6[%dma_wait3A_143] : memref<512xi32, #tpu.memory_space<vmem>> -> memref<56xi32, #tpu.memory_space<vmem>>
    %dma_wait3A_145 = arith.constant 0 : i32
    %dma_wait3A_146 = arith.constant 0 : i32
    %dma_wait3A_147 = tpu.memref_slice %arg3[%dma_wait3A_145, %dma_wait3A_146] : memref<4097x1024xf32, #tpu.memory_space<hbm>> -> memref<4097x1024xf32, #tpu.memory_space<hbm>>
    tpu.wait_indirect_dma semaphore(%arg10 : memref<!tpu.dma_semaphore, #tpu.memory_space<semaphore_mem>>) src(%dma_wait3A_147 : memref<4097x1024xf32, #tpu.memory_space<hbm>>) dst(%dma_wait3A_142 : memref<56x1024xf32, #tpu.memory_space<vmem>>)
    %add3A_148 = arith.constant 168 : i32
    %add3A_149 = arith.addi %mul3A_2, %add3A_148 : i32
    %dma_start3A_150 = arith.constant 0 : i32
    %dma_start3A_151 = arith.constant 0 : i32
    %dma_start3A_152 = tpu.memref_slice %arg8[%dma_start3A_150, %dma_start3A_151] : memref<56x1024xf32, #tpu.memory_space<vmem>> -> memref<56x1024xf32, #tpu.memory_space<vmem>>
    %dma_start3A_153 = arith.constant 0 : i32
    %dma_start3A_154 = tpu.memref_slice %arg4[%add3A_149, %dma_start3A_153] : memref<16384x1024xf32, #tpu.memory_space<hbm>> -> memref<56x1024xf32, #tpu.memory_space<hbm>>
    %dma_start3A_155 = arith.constant 0 : i32
    %dma_start3A_156 = tpu.memref_slice %arg4[%add3A_149, %dma_start3A_155] : memref<16384x1024xf32, #tpu.memory_space<hbm>> -> memref<56x1024xf32, #tpu.memory_space<hbm>>
    %dma_start3A_157 = arith.constant 0 : i32
    %dma_start3A_158 = arith.constant 0 : i32
    %dma_start3A_159 = tpu.memref_slice %arg8[%dma_start3A_157, %dma_start3A_158] : memref<56x1024xf32, #tpu.memory_space<vmem>> -> memref<56x1024xf32, #tpu.memory_space<vmem>>
    tpu.enqueue_dma source(%dma_start3A_159 : memref<56x1024xf32, #tpu.memory_space<vmem>>) target(%dma_start3A_156 : memref<56x1024xf32, #tpu.memory_space<hbm>>) target_semaphore(%arg12 : memref<!tpu.dma_semaphore, #tpu.memory_space<semaphore_mem>>)
    %dma_wait3A_160 = arith.constant 0 : i32
    %dma_wait3A_161 = arith.constant 0 : i32
    %dma_wait3A_162 = tpu.memref_slice %arg8[%dma_wait3A_160, %dma_wait3A_161] : memref<56x1024xf32, #tpu.memory_space<vmem>> -> memref<56x1024xf32, #tpu.memory_space<vmem>>
    %dma_wait3A_163 = arith.constant 0 : i32
    %dma_wait3A_164 = tpu.memref_slice %arg4[%add3A_149, %dma_wait3A_163] : memref<16384x1024xf32, #tpu.memory_space<hbm>> -> memref<56x1024xf32, #tpu.memory_space<hbm>>
    %dma_wait3A_165 = arith.constant 0 : i32
    %dma_wait3A_166 = tpu.memref_slice %arg4[%add3A_149, %dma_wait3A_165] : memref<16384x1024xf32, #tpu.memory_space<hbm>> -> memref<56x1024xf32, #tpu.memory_space<hbm>>
    %dma_wait3A_167 = arith.constant 0 : i32
    %dma_wait3A_168 = arith.constant 0 : i32
    %dma_wait3A_169 = tpu.memref_slice %arg8[%dma_wait3A_167, %dma_wait3A_168] : memref<56x1024xf32, #tpu.memory_space<vmem>> -> memref<56x1024xf32, #tpu.memory_space<vmem>>
    tpu.wait_dma2 semaphore(%arg12 : memref<!tpu.dma_semaphore, #tpu.memory_space<semaphore_mem>>) src(%dma_wait3A_169 : memref<56x1024xf32, #tpu.memory_space<vmem>>) dst(%dma_wait3A_166 : memref<56x1024xf32, #tpu.memory_space<hbm>>)
    %dma_start3A_170 = arith.constant 0 : i32
    %dma_start3A_171 = arith.constant 0 : i32
    %dma_start3A_172 = tpu.memref_slice %arg8[%dma_start3A_170, %dma_start3A_171] : memref<56x1024xf32, #tpu.memory_space<vmem>> -> memref<56x1024xf32, #tpu.memory_space<vmem>>
    %dma_start3A_173 = arith.constant 280 : i32
    %dma_start3A_174 = tpu.memref_slice %arg6[%dma_start3A_173] : memref<512xi32, #tpu.memory_space<vmem>> -> memref<56xi32, #tpu.memory_space<vmem>>
    %dma_start3A_175 = arith.constant 0 : i32
    %dma_start3A_176 = arith.constant 0 : i32
    %dma_start3A_177 = tpu.memref_slice %arg3[%dma_start3A_175, %dma_start3A_176] : memref<4097x1024xf32, #tpu.memory_space<hbm>> -> memref<4097x1024xf32, #tpu.memory_space<hbm>>
    tpu.enqueue_indirect_dma source(%dma_start3A_177 : memref<4097x1024xf32, #tpu.memory_space<hbm>>) target(%dma_start3A_172 : memref<56x1024xf32, #tpu.memory_space<vmem>>) offsets(%dma_start3A_174 : memref<56xi32, #tpu.memory_space<vmem>>) semaphore(%arg10 : memref<!tpu.dma_semaphore, #tpu.memory_space<semaphore_mem>>)
    %dma_wait3A_178 = arith.constant 0 : i32
    %dma_wait3A_179 = arith.constant 0 : i32
    %dma_wait3A_180 = tpu.memref_slice %arg7[%dma_wait3A_178, %dma_wait3A_179] : memref<56x1024xf32, #tpu.memory_space<vmem>> -> memref<56x1024xf32, #tpu.memory_space<vmem>>
    %dma_wait3A_181 = arith.constant 224 : i32
    %dma_wait3A_182 = tpu.memref_slice %arg6[%dma_wait3A_181] : memref<512xi32, #tpu.memory_space<vmem>> -> memref<56xi32, #tpu.memory_space<vmem>>
    %dma_wait3A_183 = arith.constant 0 : i32
    %dma_wait3A_184 = arith.constant 0 : i32
    %dma_wait3A_185 = tpu.memref_slice %arg3[%dma_wait3A_183, %dma_wait3A_184] : memref<4097x1024xf32, #tpu.memory_space<hbm>> -> memref<4097x1024xf32, #tpu.memory_space<hbm>>
    tpu.wait_indirect_dma semaphore(%arg9 : memref<!tpu.dma_semaphore, #tpu.memory_space<semaphore_mem>>) src(%dma_wait3A_185 : memref<4097x1024xf32, #tpu.memory_space<hbm>>) dst(%dma_wait3A_180 : memref<56x1024xf32, #tpu.memory_space<vmem>>)
    %add3A_186 = arith.constant 224 : i32
    %add3A_187 = arith.addi %mul3A_2, %add3A_186 : i32
    %dma_start3A_188 = arith.constant 0 : i32
    %dma_start3A_189 = arith.constant 0 : i32
    %dma_start3A_190 = tpu.memref_slice %arg7[%dma_start3A_188, %dma_start3A_189] : memref<56x1024xf32, #tpu.memory_space<vmem>> -> memref<56x1024xf32, #tpu.memory_space<vmem>>
    %dma_start3A_191 = arith.constant 0 : i32
    %dma_start3A_192 = tpu.memref_slice %arg4[%add3A_187, %dma_start3A_191] : memref<16384x1024xf32, #tpu.memory_space<hbm>> -> memref<56x1024xf32, #tpu.memory_space<hbm>>
    %dma_start3A_193 = arith.constant 0 : i32
    %dma_start3A_194 = tpu.memref_slice %arg4[%add3A_187, %dma_start3A_193] : memref<16384x1024xf32, #tpu.memory_space<hbm>> -> memref<56x1024xf32, #tpu.memory_space<hbm>>
    %dma_start3A_195 = arith.constant 0 : i32
    %dma_start3A_196 = arith.constant 0 : i32
    %dma_start3A_197 = tpu.memref_slice %arg7[%dma_start3A_195, %dma_start3A_196] : memref<56x1024xf32, #tpu.memory_space<vmem>> -> memref<56x1024xf32, #tpu.memory_space<vmem>>
    tpu.enqueue_dma source(%dma_start3A_197 : memref<56x1024xf32, #tpu.memory_space<vmem>>) target(%dma_start3A_194 : memref<56x1024xf32, #tpu.memory_space<hbm>>) target_semaphore(%arg11 : memref<!tpu.dma_semaphore, #tpu.memory_space<semaphore_mem>>)
    %dma_wait3A_198 = arith.constant 0 : i32
    %dma_wait3A_199 = arith.constant 0 : i32
    %dma_wait3A_200 = tpu.memref_slice %arg7[%dma_wait3A_198, %dma_wait3A_199] : memref<56x1024xf32, #tpu.memory_space<vmem>> -> memref<56x1024xf32, #tpu.memory_space<vmem>>
    %dma_wait3A_201 = arith.constant 0 : i32
    %dma_wait3A_202 = tpu.memref_slice %arg4[%add3A_187, %dma_wait3A_201] : memref<16384x1024xf32, #tpu.memory_space<hbm>> -> memref<56x1024xf32, #tpu.memory_space<hbm>>
    %dma_wait3A_203 = arith.constant 0 : i32
    %dma_wait3A_204 = tpu.memref_slice %arg4[%add3A_187, %dma_wait3A_203] : memref<16384x1024xf32, #tpu.memory_space<hbm>> -> memref<56x1024xf32, #tpu.memory_space<hbm>>
    %dma_wait3A_205 = arith.constant 0 : i32
    %dma_wait3A_206 = arith.constant 0 : i32
    %dma_wait3A_207 = tpu.memref_slice %arg7[%dma_wait3A_205, %dma_wait3A_206] : memref<56x1024xf32, #tpu.memory_space<vmem>> -> memref<56x1024xf32, #tpu.memory_space<vmem>>
    tpu.wait_dma2 semaphore(%arg11 : memref<!tpu.dma_semaphore, #tpu.memory_space<semaphore_mem>>) src(%dma_wait3A_207 : memref<56x1024xf32, #tpu.memory_space<vmem>>) dst(%dma_wait3A_204 : memref<56x1024xf32, #tpu.memory_space<hbm>>)
    %dma_start3A_208 = arith.constant 0 : i32
    %dma_start3A_209 = arith.constant 0 : i32
    %dma_start3A_210 = tpu.memref_slice %arg7[%dma_start3A_208, %dma_start3A_209] : memref<56x1024xf32, #tpu.memory_space<vmem>> -> memref<56x1024xf32, #tpu.memory_space<vmem>>
    %dma_start3A_211 = arith.constant 336 : i32
    %dma_start3A_212 = tpu.memref_slice %arg6[%dma_start3A_211] : memref<512xi32, #tpu.memory_space<vmem>> -> memref<56xi32, #tpu.memory_space<vmem>>
    %dma_start3A_213 = arith.constant 0 : i32
    %dma_start3A_214 = arith.constant 0 : i32
    %dma_start3A_215 = tpu.memref_slice %arg3[%dma_start3A_213, %dma_start3A_214] : memref<4097x1024xf32, #tpu.memory_space<hbm>> -> memref<4097x1024xf32, #tpu.memory_space<hbm>>
    tpu.enqueue_indirect_dma source(%dma_start3A_215 : memref<4097x1024xf32, #tpu.memory_space<hbm>>) target(%dma_start3A_210 : memref<56x1024xf32, #tpu.memory_space<vmem>>) offsets(%dma_start3A_212 : memref<56xi32, #tpu.memory_space<vmem>>) semaphore(%arg9 : memref<!tpu.dma_semaphore, #tpu.memory_space<semaphore_mem>>)
    %dma_wait3A_216 = arith.constant 0 : i32
    %dma_wait3A_217 = arith.constant 0 : i32
    %dma_wait3A_218 = tpu.memref_slice %arg8[%dma_wait3A_216, %dma_wait3A_217] : memref<56x1024xf32, #tpu.memory_space<vmem>> -> memref<56x1024xf32, #tpu.memory_space<vmem>>
    %dma_wait3A_219 = arith.constant 280 : i32
    %dma_wait3A_220 = tpu.memref_slice %arg6[%dma_wait3A_219] : memref<512xi32, #tpu.memory_space<vmem>> -> memref<56xi32, #tpu.memory_space<vmem>>
    %dma_wait3A_221 = arith.constant 0 : i32
    %dma_wait3A_222 = arith.constant 0 : i32
    %dma_wait3A_223 = tpu.memref_slice %arg3[%dma_wait3A_221, %dma_wait3A_222] : memref<4097x1024xf32, #tpu.memory_space<hbm>> -> memref<4097x1024xf32, #tpu.memory_space<hbm>>
    tpu.wait_indirect_dma semaphore(%arg10 : memref<!tpu.dma_semaphore, #tpu.memory_space<semaphore_mem>>) src(%dma_wait3A_223 : memref<4097x1024xf32, #tpu.memory_space<hbm>>) dst(%dma_wait3A_218 : memref<56x1024xf32, #tpu.memory_space<vmem>>)
    %add3A_224 = arith.constant 280 : i32
    %add3A_225 = arith.addi %mul3A_2, %add3A_224 : i32
    %dma_start3A_226 = arith.constant 0 : i32
    %dma_start3A_227 = arith.constant 0 : i32
    %dma_start3A_228 = tpu.memref_slice %arg8[%dma_start3A_226, %dma_start3A_227] : memref<56x1024xf32, #tpu.memory_space<vmem>> -> memref<56x1024xf32, #tpu.memory_space<vmem>>
    %dma_start3A_229 = arith.constant 0 : i32
    %dma_start3A_230 = tpu.memref_slice %arg4[%add3A_225, %dma_start3A_229] : memref<16384x1024xf32, #tpu.memory_space<hbm>> -> memref<56x1024xf32, #tpu.memory_space<hbm>>
    %dma_start3A_231 = arith.constant 0 : i32
    %dma_start3A_232 = tpu.memref_slice %arg4[%add3A_225, %dma_start3A_231] : memref<16384x1024xf32, #tpu.memory_space<hbm>> -> memref<56x1024xf32, #tpu.memory_space<hbm>>
    %dma_start3A_233 = arith.constant 0 : i32
    %dma_start3A_234 = arith.constant 0 : i32
    %dma_start3A_235 = tpu.memref_slice %arg8[%dma_start3A_233, %dma_start3A_234] : memref<56x1024xf32, #tpu.memory_space<vmem>> -> memref<56x1024xf32, #tpu.memory_space<vmem>>
    tpu.enqueue_dma source(%dma_start3A_235 : memref<56x1024xf32, #tpu.memory_space<vmem>>) target(%dma_start3A_232 : memref<56x1024xf32, #tpu.memory_space<hbm>>) target_semaphore(%arg12 : memref<!tpu.dma_semaphore, #tpu.memory_space<semaphore_mem>>)
    %dma_wait3A_236 = arith.constant 0 : i32
    %dma_wait3A_237 = arith.constant 0 : i32
    %dma_wait3A_238 = tpu.memref_slice %arg8[%dma_wait3A_236, %dma_wait3A_237] : memref<56x1024xf32, #tpu.memory_space<vmem>> -> memref<56x1024xf32, #tpu.memory_space<vmem>>
    %dma_wait3A_239 = arith.constant 0 : i32
    %dma_wait3A_240 = tpu.memref_slice %arg4[%add3A_225, %dma_wait3A_239] : memref<16384x1024xf32, #tpu.memory_space<hbm>> -> memref<56x1024xf32, #tpu.memory_space<hbm>>
    %dma_wait3A_241 = arith.constant 0 : i32
    %dma_wait3A_242 = tpu.memref_slice %arg4[%add3A_225, %dma_wait3A_241] : memref<16384x1024xf32, #tpu.memory_space<hbm>> -> memref<56x1024xf32, #tpu.memory_space<hbm>>
    %dma_wait3A_243 = arith.constant 0 : i32
    %dma_wait3A_244 = arith.constant 0 : i32
    %dma_wait3A_245 = tpu.memref_slice %arg8[%dma_wait3A_243, %dma_wait3A_244] : memref<56x1024xf32, #tpu.memory_space<vmem>> -> memref<56x1024xf32, #tpu.memory_space<vmem>>
    tpu.wait_dma2 semaphore(%arg12 : memref<!tpu.dma_semaphore, #tpu.memory_space<semaphore_mem>>) src(%dma_wait3A_245 : memref<56x1024xf32, #tpu.memory_space<vmem>>) dst(%dma_wait3A_242 : memref<56x1024xf32, #tpu.memory_space<hbm>>)
    %dma_start3A_246 = arith.constant 0 : i32
    %dma_start3A_247 = arith.constant 0 : i32
    %dma_start3A_248 = tpu.memref_slice %arg8[%dma_start3A_246, %dma_start3A_247] : memref<56x1024xf32, #tpu.memory_space<vmem>> -> memref<56x1024xf32, #tpu.memory_space<vmem>>
    %dma_start3A_249 = arith.constant 392 : i32
    %dma_start3A_250 = tpu.memref_slice %arg6[%dma_start3A_249] : memref<512xi32, #tpu.memory_space<vmem>> -> memref<56xi32, #tpu.memory_space<vmem>>
    %dma_start3A_251 = arith.constant 0 : i32
    %dma_start3A_252 = arith.constant 0 : i32
    %dma_start3A_253 = tpu.memref_slice %arg3[%dma_start3A_251, %dma_start3A_252] : memref<4097x1024xf32, #tpu.memory_space<hbm>> -> memref<4097x1024xf32, #tpu.memory_space<hbm>>
    tpu.enqueue_indirect_dma source(%dma_start3A_253 : memref<4097x1024xf32, #tpu.memory_space<hbm>>) target(%dma_start3A_248 : memref<56x1024xf32, #tpu.memory_space<vmem>>) offsets(%dma_start3A_250 : memref<56xi32, #tpu.memory_space<vmem>>) semaphore(%arg10 : memref<!tpu.dma_semaphore, #tpu.memory_space<semaphore_mem>>)
    %dma_wait3A_254 = arith.constant 0 : i32
    %dma_wait3A_255 = arith.constant 0 : i32
    %dma_wait3A_256 = tpu.memref_slice %arg7[%dma_wait3A_254, %dma_wait3A_255] : memref<56x1024xf32, #tpu.memory_space<vmem>> -> memref<56x1024xf32, #tpu.memory_space<vmem>>
    %dma_wait3A_257 = arith.constant 336 : i32
    %dma_wait3A_258 = tpu.memref_slice %arg6[%dma_wait3A_257] : memref<512xi32, #tpu.memory_space<vmem>> -> memref<56xi32, #tpu.memory_space<vmem>>
    %dma_wait3A_259 = arith.constant 0 : i32
    %dma_wait3A_260 = arith.constant 0 : i32
    %dma_wait3A_261 = tpu.memref_slice %arg3[%dma_wait3A_259, %dma_wait3A_260] : memref<4097x1024xf32, #tpu.memory_space<hbm>> -> memref<4097x1024xf32, #tpu.memory_space<hbm>>
    tpu.wait_indirect_dma semaphore(%arg9 : memref<!tpu.dma_semaphore, #tpu.memory_space<semaphore_mem>>) src(%dma_wait3A_261 : memref<4097x1024xf32, #tpu.memory_space<hbm>>) dst(%dma_wait3A_256 : memref<56x1024xf32, #tpu.memory_space<vmem>>)
    %add3A_262 = arith.constant 336 : i32
    %add3A_263 = arith.addi %mul3A_2, %add3A_262 : i32
    %dma_start3A_264 = arith.constant 0 : i32
    %dma_start3A_265 = arith.constant 0 : i32
    %dma_start3A_266 = tpu.memref_slice %arg7[%dma_start3A_264, %dma_start3A_265] : memref<56x1024xf32, #tpu.memory_space<vmem>> -> memref<56x1024xf32, #tpu.memory_space<vmem>>
    %dma_start3A_267 = arith.constant 0 : i32
    %dma_start3A_268 = tpu.memref_slice %arg4[%add3A_263, %dma_start3A_267] : memref<16384x1024xf32, #tpu.memory_space<hbm>> -> memref<56x1024xf32, #tpu.memory_space<hbm>>
    %dma_start3A_269 = arith.constant 0 : i32
    %dma_start3A_270 = tpu.memref_slice %arg4[%add3A_263, %dma_start3A_269] : memref<16384x1024xf32, #tpu.memory_space<hbm>> -> memref<56x1024xf32, #tpu.memory_space<hbm>>
    %dma_start3A_271 = arith.constant 0 : i32
    %dma_start3A_272 = arith.constant 0 : i32
    %dma_start3A_273 = tpu.memref_slice %arg7[%dma_start3A_271, %dma_start3A_272] : memref<56x1024xf32, #tpu.memory_space<vmem>> -> memref<56x1024xf32, #tpu.memory_space<vmem>>
    tpu.enqueue_dma source(%dma_start3A_273 : memref<56x1024xf32, #tpu.memory_space<vmem>>) target(%dma_start3A_270 : memref<56x1024xf32, #tpu.memory_space<hbm>>) target_semaphore(%arg11 : memref<!tpu.dma_semaphore, #tpu.memory_space<semaphore_mem>>)
    %dma_wait3A_274 = arith.constant 0 : i32
    %dma_wait3A_275 = arith.constant 0 : i32
    %dma_wait3A_276 = tpu.memref_slice %arg7[%dma_wait3A_274, %dma_wait3A_275] : memref<56x1024xf32, #tpu.memory_space<vmem>> -> memref<56x1024xf32, #tpu.memory_space<vmem>>
    %dma_wait3A_277 = arith.constant 0 : i32
    %dma_wait3A_278 = tpu.memref_slice %arg4[%add3A_263, %dma_wait3A_277] : memref<16384x1024xf32, #tpu.memory_space<hbm>> -> memref<56x1024xf32, #tpu.memory_space<hbm>>
    %dma_wait3A_279 = arith.constant 0 : i32
    %dma_wait3A_280 = tpu.memref_slice %arg4[%add3A_263, %dma_wait3A_279] : memref<16384x1024xf32, #tpu.memory_space<hbm>> -> memref<56x1024xf32, #tpu.memory_space<hbm>>
    %dma_wait3A_281 = arith.constant 0 : i32
    %dma_wait3A_282 = arith.constant 0 : i32
    %dma_wait3A_283 = tpu.memref_slice %arg7[%dma_wait3A_281, %dma_wait3A_282] : memref<56x1024xf32, #tpu.memory_space<vmem>> -> memref<56x1024xf32, #tpu.memory_space<vmem>>
    tpu.wait_dma2 semaphore(%arg11 : memref<!tpu.dma_semaphore, #tpu.memory_space<semaphore_mem>>) src(%dma_wait3A_283 : memref<56x1024xf32, #tpu.memory_space<vmem>>) dst(%dma_wait3A_280 : memref<56x1024xf32, #tpu.memory_space<hbm>>)
    %dma_start3A_284 = arith.constant 0 : i32
    %dma_start3A_285 = arith.constant 0 : i32
    %dma_start3A_286 = tpu.memref_slice %arg7[%dma_start3A_284, %dma_start3A_285] : memref<56x1024xf32, #tpu.memory_space<vmem>> -> memref<56x1024xf32, #tpu.memory_space<vmem>>
    %dma_start3A_287 = arith.constant 448 : i32
    %dma_start3A_288 = tpu.memref_slice %arg6[%dma_start3A_287] : memref<512xi32, #tpu.memory_space<vmem>> -> memref<56xi32, #tpu.memory_space<vmem>>
    %dma_start3A_289 = arith.constant 0 : i32
    %dma_start3A_290 = arith.constant 0 : i32
    %dma_start3A_291 = tpu.memref_slice %arg3[%dma_start3A_289, %dma_start3A_290] : memref<4097x1024xf32, #tpu.memory_space<hbm>> -> memref<4097x1024xf32, #tpu.memory_space<hbm>>
    tpu.enqueue_indirect_dma source(%dma_start3A_291 : memref<4097x1024xf32, #tpu.memory_space<hbm>>) target(%dma_start3A_286 : memref<56x1024xf32, #tpu.memory_space<vmem>>) offsets(%dma_start3A_288 : memref<56xi32, #tpu.memory_space<vmem>>) semaphore(%arg9 : memref<!tpu.dma_semaphore, #tpu.memory_space<semaphore_mem>>)
    %dma_wait3A_292 = arith.constant 0 : i32
    %dma_wait3A_293 = arith.constant 0 : i32
    %dma_wait3A_294 = tpu.memref_slice %arg8[%dma_wait3A_292, %dma_wait3A_293] : memref<56x1024xf32, #tpu.memory_space<vmem>> -> memref<56x1024xf32, #tpu.memory_space<vmem>>
    %dma_wait3A_295 = arith.constant 392 : i32
    %dma_wait3A_296 = tpu.memref_slice %arg6[%dma_wait3A_295] : memref<512xi32, #tpu.memory_space<vmem>> -> memref<56xi32, #tpu.memory_space<vmem>>
    %dma_wait3A_297 = arith.constant 0 : i32
    %dma_wait3A_298 = arith.constant 0 : i32
    %dma_wait3A_299 = tpu.memref_slice %arg3[%dma_wait3A_297, %dma_wait3A_298] : memref<4097x1024xf32, #tpu.memory_space<hbm>> -> memref<4097x1024xf32, #tpu.memory_space<hbm>>
    tpu.wait_indirect_dma semaphore(%arg10 : memref<!tpu.dma_semaphore, #tpu.memory_space<semaphore_mem>>) src(%dma_wait3A_299 : memref<4097x1024xf32, #tpu.memory_space<hbm>>) dst(%dma_wait3A_294 : memref<56x1024xf32, #tpu.memory_space<vmem>>)
    %add3A_300 = arith.constant 392 : i32
    %add3A_301 = arith.addi %mul3A_2, %add3A_300 : i32
    %dma_start3A_302 = arith.constant 0 : i32
    %dma_start3A_303 = arith.constant 0 : i32
    %dma_start3A_304 = tpu.memref_slice %arg8[%dma_start3A_302, %dma_start3A_303] : memref<56x1024xf32, #tpu.memory_space<vmem>> -> memref<56x1024xf32, #tpu.memory_space<vmem>>
    %dma_start3A_305 = arith.constant 0 : i32
    %dma_start3A_306 = tpu.memref_slice %arg4[%add3A_301, %dma_start3A_305] : memref<16384x1024xf32, #tpu.memory_space<hbm>> -> memref<56x1024xf32, #tpu.memory_space<hbm>>
    %dma_start3A_307 = arith.constant 0 : i32
    %dma_start3A_308 = tpu.memref_slice %arg4[%add3A_301, %dma_start3A_307] : memref<16384x1024xf32, #tpu.memory_space<hbm>> -> memref<56x1024xf32, #tpu.memory_space<hbm>>
    %dma_start3A_309 = arith.constant 0 : i32
    %dma_start3A_310 = arith.constant 0 : i32
    %dma_start3A_311 = tpu.memref_slice %arg8[%dma_start3A_309, %dma_start3A_310] : memref<56x1024xf32, #tpu.memory_space<vmem>> -> memref<56x1024xf32, #tpu.memory_space<vmem>>
    tpu.enqueue_dma source(%dma_start3A_311 : memref<56x1024xf32, #tpu.memory_space<vmem>>) target(%dma_start3A_308 : memref<56x1024xf32, #tpu.memory_space<hbm>>) target_semaphore(%arg12 : memref<!tpu.dma_semaphore, #tpu.memory_space<semaphore_mem>>)
    %dma_wait3A_312 = arith.constant 0 : i32
    %dma_wait3A_313 = arith.constant 0 : i32
    %dma_wait3A_314 = tpu.memref_slice %arg8[%dma_wait3A_312, %dma_wait3A_313] : memref<56x1024xf32, #tpu.memory_space<vmem>> -> memref<56x1024xf32, #tpu.memory_space<vmem>>
    %dma_wait3A_315 = arith.constant 0 : i32
    %dma_wait3A_316 = tpu.memref_slice %arg4[%add3A_301, %dma_wait3A_315] : memref<16384x1024xf32, #tpu.memory_space<hbm>> -> memref<56x1024xf32, #tpu.memory_space<hbm>>
    %dma_wait3A_317 = arith.constant 0 : i32
    %dma_wait3A_318 = tpu.memref_slice %arg4[%add3A_301, %dma_wait3A_317] : memref<16384x1024xf32, #tpu.memory_space<hbm>> -> memref<56x1024xf32, #tpu.memory_space<hbm>>
    %dma_wait3A_319 = arith.constant 0 : i32
    %dma_wait3A_320 = arith.constant 0 : i32
    %dma_wait3A_321 = tpu.memref_slice %arg8[%dma_wait3A_319, %dma_wait3A_320] : memref<56x1024xf32, #tpu.memory_space<vmem>> -> memref<56x1024xf32, #tpu.memory_space<vmem>>
    tpu.wait_dma2 semaphore(%arg12 : memref<!tpu.dma_semaphore, #tpu.memory_space<semaphore_mem>>) src(%dma_wait3A_321 : memref<56x1024xf32, #tpu.memory_space<vmem>>) dst(%dma_wait3A_318 : memref<56x1024xf32, #tpu.memory_space<hbm>>)
    %dma_start3A_322 = arith.constant 0 : i32
    %dma_start3A_323 = arith.constant 0 : i32
    %dma_start3A_324 = tpu.memref_slice %arg8[%dma_start3A_322, %dma_start3A_323] : memref<56x1024xf32, #tpu.memory_space<vmem>> -> memref<8x1024xf32, #tpu.memory_space<vmem>>
    %dma_start3A_325 = arith.constant 504 : i32
    %dma_start3A_326 = tpu.memref_slice %arg6[%dma_start3A_325] : memref<512xi32, #tpu.memory_space<vmem>> -> memref<8xi32, #tpu.memory_space<vmem>>
    %dma_start3A_327 = arith.constant 0 : i32
    %dma_start3A_328 = arith.constant 0 : i32
    %dma_start3A_329 = tpu.memref_slice %arg3[%dma_start3A_327, %dma_start3A_328] : memref<4097x1024xf32, #tpu.memory_space<hbm>> -> memref<4097x1024xf32, #tpu.memory_space<hbm>>
    tpu.enqueue_indirect_dma source(%dma_start3A_329 : memref<4097x1024xf32, #tpu.memory_space<hbm>>) target(%dma_start3A_324 : memref<8x1024xf32, #tpu.memory_space<vmem>>) offsets(%dma_start3A_326 : memref<8xi32, #tpu.memory_space<vmem>>) semaphore(%arg10 : memref<!tpu.dma_semaphore, #tpu.memory_space<semaphore_mem>>)
    %dma_wait3A_330 = arith.constant 0 : i32
    %dma_wait3A_331 = arith.constant 0 : i32
    %dma_wait3A_332 = tpu.memref_slice %arg7[%dma_wait3A_330, %dma_wait3A_331] : memref<56x1024xf32, #tpu.memory_space<vmem>> -> memref<56x1024xf32, #tpu.memory_space<vmem>>
    %dma_wait3A_333 = arith.constant 448 : i32
    %dma_wait3A_334 = tpu.memref_slice %arg6[%dma_wait3A_333] : memref<512xi32, #tpu.memory_space<vmem>> -> memref<56xi32, #tpu.memory_space<vmem>>
    %dma_wait3A_335 = arith.constant 0 : i32
    %dma_wait3A_336 = arith.constant 0 : i32
    %dma_wait3A_337 = tpu.memref_slice %arg3[%dma_wait3A_335, %dma_wait3A_336] : memref<4097x1024xf32, #tpu.memory_space<hbm>> -> memref<4097x1024xf32, #tpu.memory_space<hbm>>
    tpu.wait_indirect_dma semaphore(%arg9 : memref<!tpu.dma_semaphore, #tpu.memory_space<semaphore_mem>>) src(%dma_wait3A_337 : memref<4097x1024xf32, #tpu.memory_space<hbm>>) dst(%dma_wait3A_332 : memref<56x1024xf32, #tpu.memory_space<vmem>>)
    %add3A_338 = arith.constant 448 : i32
    %add3A_339 = arith.addi %mul3A_2, %add3A_338 : i32
    %dma_start3A_340 = arith.constant 0 : i32
    %dma_start3A_341 = arith.constant 0 : i32
    %dma_start3A_342 = tpu.memref_slice %arg7[%dma_start3A_340, %dma_start3A_341] : memref<56x1024xf32, #tpu.memory_space<vmem>> -> memref<56x1024xf32, #tpu.memory_space<vmem>>
    %dma_start3A_343 = arith.constant 0 : i32
    %dma_start3A_344 = tpu.memref_slice %arg4[%add3A_339, %dma_start3A_343] : memref<16384x1024xf32, #tpu.memory_space<hbm>> -> memref<56x1024xf32, #tpu.memory_space<hbm>>
    %dma_start3A_345 = arith.constant 0 : i32
    %dma_start3A_346 = tpu.memref_slice %arg4[%add3A_339, %dma_start3A_345] : memref<16384x1024xf32, #tpu.memory_space<hbm>> -> memref<56x1024xf32, #tpu.memory_space<hbm>>
    %dma_start3A_347 = arith.constant 0 : i32
    %dma_start3A_348 = arith.constant 0 : i32
    %dma_start3A_349 = tpu.memref_slice %arg7[%dma_start3A_347, %dma_start3A_348] : memref<56x1024xf32, #tpu.memory_space<vmem>> -> memref<56x1024xf32, #tpu.memory_space<vmem>>
    tpu.enqueue_dma source(%dma_start3A_349 : memref<56x1024xf32, #tpu.memory_space<vmem>>) target(%dma_start3A_346 : memref<56x1024xf32, #tpu.memory_space<hbm>>) target_semaphore(%arg11 : memref<!tpu.dma_semaphore, #tpu.memory_space<semaphore_mem>>)
    %dma_wait3A_350 = arith.constant 0 : i32
    %dma_wait3A_351 = arith.constant 0 : i32
    %dma_wait3A_352 = tpu.memref_slice %arg8[%dma_wait3A_350, %dma_wait3A_351] : memref<56x1024xf32, #tpu.memory_space<vmem>> -> memref<8x1024xf32, #tpu.memory_space<vmem>>
    %dma_wait3A_353 = arith.constant 504 : i32
    %dma_wait3A_354 = tpu.memref_slice %arg6[%dma_wait3A_353] : memref<512xi32, #tpu.memory_space<vmem>> -> memref<8xi32, #tpu.memory_space<vmem>>
    %dma_wait3A_355 = arith.constant 0 : i32
    %dma_wait3A_356 = arith.constant 0 : i32
    %dma_wait3A_357 = tpu.memref_slice %arg3[%dma_wait3A_355, %dma_wait3A_356] : memref<4097x1024xf32, #tpu.memory_space<hbm>> -> memref<4097x1024xf32, #tpu.memory_space<hbm>>
    tpu.wait_indirect_dma semaphore(%arg10 : memref<!tpu.dma_semaphore, #tpu.memory_space<semaphore_mem>>) src(%dma_wait3A_357 : memref<4097x1024xf32, #tpu.memory_space<hbm>>) dst(%dma_wait3A_352 : memref<8x1024xf32, #tpu.memory_space<vmem>>)
    %add3A_358 = arith.constant 504 : i32
    %add3A_359 = arith.addi %mul3A_2, %add3A_358 : i32
    %dma_start3A_360 = arith.constant 0 : i32
    %dma_start3A_361 = arith.constant 0 : i32
    %dma_start3A_362 = tpu.memref_slice %arg8[%dma_start3A_360, %dma_start3A_361] : memref<56x1024xf32, #tpu.memory_space<vmem>> -> memref<8x1024xf32, #tpu.memory_space<vmem>>
    %dma_start3A_363 = arith.constant 0 : i32
    %dma_start3A_364 = tpu.memref_slice %arg4[%add3A_359, %dma_start3A_363] : memref<16384x1024xf32, #tpu.memory_space<hbm>> -> memref<8x1024xf32, #tpu.memory_space<hbm>>
    %dma_start3A_365 = arith.constant 0 : i32
    %dma_start3A_366 = tpu.memref_slice %arg4[%add3A_359, %dma_start3A_365] : memref<16384x1024xf32, #tpu.memory_space<hbm>> -> memref<8x1024xf32, #tpu.memory_space<hbm>>
    %dma_start3A_367 = arith.constant 0 : i32
    %dma_start3A_368 = arith.constant 0 : i32
    %dma_start3A_369 = tpu.memref_slice %arg8[%dma_start3A_367, %dma_start3A_368] : memref<56x1024xf32, #tpu.memory_space<vmem>> -> memref<8x1024xf32, #tpu.memory_space<vmem>>
    tpu.enqueue_dma source(%dma_start3A_369 : memref<8x1024xf32, #tpu.memory_space<vmem>>) target(%dma_start3A_366 : memref<8x1024xf32, #tpu.memory_space<hbm>>) target_semaphore(%arg12 : memref<!tpu.dma_semaphore, #tpu.memory_space<semaphore_mem>>)
    %dma_wait3A_370 = arith.constant 0 : i32
    %dma_wait3A_371 = arith.constant 0 : i32
    %dma_wait3A_372 = tpu.memref_slice %arg7[%dma_wait3A_370, %dma_wait3A_371] : memref<56x1024xf32, #tpu.memory_space<vmem>> -> memref<56x1024xf32, #tpu.memory_space<vmem>>
    %dma_wait3A_373 = arith.constant 0 : i32
    %dma_wait3A_374 = tpu.memref_slice %arg4[%add3A_339, %dma_wait3A_373] : memref<16384x1024xf32, #tpu.memory_space<hbm>> -> memref<56x1024xf32, #tpu.memory_space<hbm>>
    %dma_wait3A_375 = arith.constant 0 : i32
    %dma_wait3A_376 = tpu.memref_slice %arg4[%add3A_339, %dma_wait3A_375] : memref<16384x1024xf32, #tpu.memory_space<hbm>> -> memref<56x1024xf32, #tpu.memory_space<hbm>>
    %dma_wait3A_377 = arith.constant 0 : i32
    %dma_wait3A_378 = arith.constant 0 : i32
    %dma_wait3A_379 = tpu.memref_slice %arg7[%dma_wait3A_377, %dma_wait3A_378] : memref<56x1024xf32, #tpu.memory_space<vmem>> -> memref<56x1024xf32, #tpu.memory_space<vmem>>
    tpu.wait_dma2 semaphore(%arg11 : memref<!tpu.dma_semaphore, #tpu.memory_space<semaphore_mem>>) src(%dma_wait3A_379 : memref<56x1024xf32, #tpu.memory_space<vmem>>) dst(%dma_wait3A_376 : memref<56x1024xf32, #tpu.memory_space<hbm>>)
    %dma_wait3A_380 = arith.constant 0 : i32
    %dma_wait3A_381 = arith.constant 0 : i32
    %dma_wait3A_382 = tpu.memref_slice %arg8[%dma_wait3A_380, %dma_wait3A_381] : memref<56x1024xf32, #tpu.memory_space<vmem>> -> memref<8x1024xf32, #tpu.memory_space<vmem>>
    %dma_wait3A_383 = arith.constant 0 : i32
    %dma_wait3A_384 = tpu.memref_slice %arg4[%add3A_359, %dma_wait3A_383] : memref<16384x1024xf32, #tpu.memory_space<hbm>> -> memref<8x1024xf32, #tpu.memory_space<hbm>>
    %dma_wait3A_385 = arith.constant 0 : i32
    %dma_wait3A_386 = tpu.memref_slice %arg4[%add3A_359, %dma_wait3A_385] : memref<16384x1024xf32, #tpu.memory_space<hbm>> -> memref<8x1024xf32, #tpu.memory_space<hbm>>
    %dma_wait3A_387 = arith.constant 0 : i32
    %dma_wait3A_388 = arith.constant 0 : i32
    %dma_wait3A_389 = tpu.memref_slice %arg8[%dma_wait3A_387, %dma_wait3A_388] : memref<56x1024xf32, #tpu.memory_space<vmem>> -> memref<8x1024xf32, #tpu.memory_space<vmem>>
    tpu.wait_dma2 semaphore(%arg12 : memref<!tpu.dma_semaphore, #tpu.memory_space<semaphore_mem>>) src(%dma_wait3A_389 : memref<8x1024xf32, #tpu.memory_space<vmem>>) dst(%dma_wait3A_386 : memref<8x1024xf32, #tpu.memory_space<hbm>>)
    return
  }
}

</mosaic_0001>

<sc_bundles>
// kernel: _run.3.cloned.1.call-start
scs
__scs_entry_jumppad:
0x0: {  	(pc) =	sbr.rel $0x88, $3  }
0x1: {  	(tag) =	ssettag $0x0;
	lr =	simm.s32 $0x1  }
0x2: {  	[smem:$0x3F9F] =	sst lr;
	_ =	strace $0xD0000000  }
0x3: {  	_ = 	snop  }
0x4: {  	_ = 	snop  }
0x5: {  	_ = 	snop  }
0x6: {  	_ = 	snop  }
0x7: {  	_ = 	snop  }
__scs_overlays_trampoline_lowered:
0x8: {  	[smem:$0x3FAE] =	sst s0  }
0x9: {  	[smem:$0x3FAF] =	sst s1  }
0xa: {  	[smem:$0x3FB0] =	sst s2  }
0xb: {  	[smem:$0x3FB1] =	sst s3  }
0xc: {  	[smem:$0x3FB2] =	sst s4  }
0xd: {  	[smem:$0x3FB3] =	sst s5  }
0xe: {  	[smem:$0x3FB4] =	sst s6  }
0xf: {  	[smem:$0x3FB5] =	sst s7  }
0x10: {  	[smem:$0x3FB6] =	sst s8  }
0x11: {  	[smem:$0x3FB7] =	sst s9;
	s0 =	simm.s32 @!p0 $0x0  }
0x12: {  	s1 =	sld [smem:$0x3F9D];
	s0 =	simm.s32 @p0 $0x1  }
0x13: {  	[smem:$0x3FB8] =	sst s0;
	s0 =	simm.s32 @!p1 $0x0  }
0x14: {  	s2 =	sld [smem:$0x3F9C];
	s0 =	simm.s32 @p1 $0x1  }
0x15: {  	[smem:$0x3FB9] =	sst s0;
	s0 =	simm.s32 @!p2 $0x0  }
0x16: {  	s3 =	sld [smem:$0x3FDB];
	s0 =	simm.s32 @p2 $0x1  }
0x17: {  	s4 =	simm.s32 $0x1BF5;
	[smem:$0x3FBB] =	sst s0  }
0x18: {  	s0 =	sld [smem:$0x3F9E];
	_ =	swait.ge [sflag:s4], $0x0  }
0x19: {  	s7 =	sld [smem:$0x3F9F]  }
0x1a: {  	s8 =	sadd.s32 $0xFFFFE003, lr  }
0x1b: {  	s9 =	sadd.s32 $0xFFFFFEF7, lr;
	s5 =	simm.s32 $0xFFFFFFFF;
	p2 =	slt.u32 s8, $0xFFFFF086  }
0x1c: {  	p1 =	slt.u32 s9, $0xF7A;
	s5 =	simm.s32 @!p2 $0x0  }
0x1d: {  	s5 =	simm.s32 @p1 $0x1;
	p0 =	seq.s32 s7, s2  }
0x1e: {  	s7 =	smul.u32 @!p0 $0xF7A, s2;
	p2 =	seq.s32 @!p0 s5, $0x0  }
0x1f: {  	s9 =	smul.u32 $0xF7A, s1;
	s8 =	simm.s32 @!p0 $0x1BF5;
	p2 =	por !p2, p0  }
0x20: {  	[sflag:s8] =	ssyncset.s32 @!p0 $0xFFFFF086;
	s6 =	sadd.s32 @!p0 s3, s7;
	s7 =	simm.s32 @!p0 $0x108  }
0x21: {  	s3 =	sadd.s32 s3, s9;
	s6 =	sadd.s32 @!p0 $0x88, s6;
	s7 =	simm.s32 @p2 $0x1082  }
0x22: {  	[simem:s7], [sflag:s8] =	dma.local @!p0 [hbm:s6], $0xF7A  }
0x23: {  	s9 =	sor.u32 $0xD0000000, s2;
	s6 =	simm.s32 $0x108;
	_ =	swait.ge @!p0 [sflag:s8], $0x0  }
0x24: {  	s3 =	sadd.s32 $0x88, s3;
	s6 =	simm.s32 @!p1 $0x1082;
	[sflag:s4] =	ssyncset.s32 $0xFFFFF086  }
0x25: {  	[simem:s6], [sflag:s4] =	dma.local [hbm:s3], $0xF7A  }
0x26: {  	[smem:$0x3F9F] =	sst s1;
	(tag) =	ssettag s2;
	_ =	strace s9  }
0x27: {  	s1 =	sld [smem:$0x3FAF]  }
0x28: {  	s2 =	sld [smem:$0x3FB0]  }
0x29: {  	s4 =	sld [smem:$0x3FB2]  }
0x2a: {  	p0 =	seq.s32 s5, $0x0;
	s5 =	sld [smem:$0x3FB3]  }
0x2b: {  	s6 =	sld [smem:$0x3FB4]  }
0x2c: {  	s7 =	sld [smem:$0x3FB5]  }
0x2d: {  	s3 =	simm.s32 $0x108;
	s8 =	sld [smem:$0x3FB6]  }
0x2e: {  	s3 =	simm.s32 @!p0 $0x1082;
	s9 =	sld [smem:$0x3FB7]  }
0x2f: {  	lr =	sadd.s32 s0, s3;
	s0 =	sld [smem:$0x3FAE]  }
0x30: {  	s3 =	sld [smem:$0x3FB1]  }
0x31: {  	[smem:$0x3FBA] =	sst s10  }
0x32: {  	s10 =	sld [smem:$0x3FB8];
	_ =	sdelay $0x3  }
0x33: {  	p0 =	seq.s32 s10, $0x1;
	s10 =	sld [smem:$0x3FBA];
	_ =	sdelay $0x3  }
0x34: {  	[smem:$0x3FBA] =	sst s10  }
0x35: {  	s10 =	sld [smem:$0x3FB9];
	_ =	sdelay $0x3  }
0x36: {  	p1 =	seq.s32 s10, $0x1;
	s10 =	sld [smem:$0x3FBA];
	_ =	sdelay $0x3  }
0x37: {  	[smem:$0x3FBA] =	sst s10  }
0x38: {  	s10 =	sld [smem:$0x3FBB]  }
0x39: {  	_ = 	snop;
	(pc) =	sbr.ind lr, $3  }
0x3a: {  	_ = 	snop  }
0x3b: {  	_ = 	snop  }
0x3c: {  	p2 =	seq.s32 s10, $0x1;
	s10 =	sld [smem:$0x3FBA]  }
0x3d: {  	_ =	shalt  }
0x3e: {  	_ =	shalt  }
0x3f: {  	_ =	shalt  }
0x40: {  	_ =	shalt  }
0x41: {  	_ =	shalt  }
0x42: {  	_ =	shalt  }
0x43: {  	_ =	shalt  }
0x44: {  	_ =	shalt  }
0x45: {  	_ =	shalt  }
0x46: {  	_ =	shalt  }
0x47: {  	_ =	shalt  }
0x48: {  	_ =	shalt  }
0x49: {  	_ =	shalt  }
0x4a: {  	_ =	shalt  }
0x4b: {  	_ =	shalt  }
0x4c: {  	_ =	shalt  }
0x4d: {  	_ =	shalt  }
0x4e: {  	_ =	shalt  }
0x4f: {  	_ =	shalt  }
0x50: {  	_ =	shalt  }
0x51: {  	_ =	shalt  }
0x52: {  	_ =	shalt  }
0x53: {  	_ =	shalt  }
0x54: {  	_ =	shalt  }
0x55: {  	_ =	shalt  }
0x56: {  	_ =	shalt  }
0x57: {  	_ =	shalt  }
0x58: {  	_ =	shalt  }
0x59: {  	_ =	shalt  }
0x5a: {  	_ =	shalt  }
0x5b: {  	_ =	shalt  }
0x5c: {  	_ =	shalt  }
0x5d: {  	_ =	shalt  }
0x5e: {  	_ =	shalt  }
0x5f: {  	_ =	shalt  }
0x60: {  	_ =	shalt  }
0x61: {  	_ =	shalt  }
0x62: {  	_ =	shalt  }
0x63: {  	_ =	shalt  }
0x64: {  	_ =	shalt  }
0x65: {  	_ =	shalt  }
0x66: {  	_ =	shalt  }
0x67: {  	_ =	shalt  }
0x68: {  	_ =	shalt  }
0x69: {  	_ =	shalt  }
0x6a: {  	_ =	shalt  }
0x6b: {  	_ =	shalt  }
0x6c: {  	_ =	shalt  }
0x6d: {  	_ =	shalt  }
0x6e: {  	_ =	shalt  }
0x6f: {  	_ =	shalt  }
0x70: {  	_ =	shalt  }
0x71: {  	_ =	shalt  }
0x72: {  	_ =	shalt  }
0x73: {  	_ =	shalt  }
0x74: {  	_ =	shalt  }
0x75: {  	_ =	shalt  }
0x76: {  	_ =	shalt  }
0x77: {  	_ =	shalt  }
0x78: {  	_ =	shalt  }
0x79: {  	_ =	shalt  }
0x7a: {  	_ =	shalt  }
0x7b: {  	_ =	shalt  }
0x7c: {  	_ =	shalt  }
0x7d: {  	_ =	shalt  }
0x7e: {  	_ =	shalt  }
0x7f: {  	_ =	shalt  }
0x80: {  	_ =	shalt  }
0x81: {  	_ =	shalt  }
0x82: {  	_ =	shalt  }
0x83: {  	_ =	shalt  }
0x84: {  	_ =	shalt  }
0x85: {  	_ =	shalt  }
0x86: {  	_ =	shalt  }
0x87: {  	_ =	shalt  }
.Lfunc_end0:
.L_simem_size_0:
called_computation_lowered:
.L_overlay_start_0:
0x88: {  	s2 =	sld [smem:$0x3FD9]  }
0x89: {  	s3 =	sld [smem:$0x3FFE];
	_ =	sdelay $0x1  }
0x8a: {  	s1 =	srdreg.scid  }
0x8b: {  	s0 =	sand.u32 $0x1, s1  }
0x8c: {  	s18 =	sshll.u32 s0, $0xA;
	s2 =	sadd.s32 s3, s2  }
0x8d: {  	s2 =	sadd.s32 s2, s18  }
0x8e: {  	[smem:$0x3FC6] =	sst s2  }
0x8f: {  	_ = 	snop  }
0x90: {  	s2 =	sld [smem:$0x3FC9]  }
0x91: {  	s19 =	sld [smem:$0x3FC8]  }
0x92: {  	s4 =	sld [smem:$0x3FD0];
	(tm) =	ssettm $0x1  }
0x93: {  	s5 =	sld [smem:$0x3FFB];
	_ =	sdelay $0x3  }
0x94: {  	_ =	strace s5  }
0x95: {  	s5 =	sld [smem:$0x3FFC];
	_ =	sdelay $0x3  }
0x96: {  	_ =	strace s5  }
0x97: {  	s5 =	sld [smem:$0x3FFD];
	_ =	sdelay $0x3  }
0x98: {  	_ =	strace s5  }
0x99: {  	_ =	strace $0x8FFFFFFF  }
0x9a: {  	s20 =	sld [smem:$0x3FDB];
	_ =	sdelay $0x1  }
0x9b: {  	s6 =	simm.s32 $_scs_section_size  }
0x9c: {  	s7 =	simm.s32 $_size__tile_overlayer_lowered;
	s8 =	simm.s32 $_tile_overlayer_lowered  }
0x9d: {  	s23 =	simm.s32 $0x1BFF;
	s22 =	sshll.u32 s8, $0x1;
	s5 =	sadd.s32 s6, s20  }
0x9e: {  	s9 =	simm.s32 $0x0;
	s21 =	sshll.u32 s7, $0x1;
	s7 =	sadd.s32 s22, s5  }
0x9f: {  	[timem:s9], [sflag:s23] =	dma.local [hbm:s7], s21  }
0xa0: {  	_ =	swait.ge [sflag:s23], s21  }
0xa1: {  	s6 =	ssub.s32 $0x0, s21;
	[sflag:s23] =	ssyncset.done $0x0  }
0xa2: {  	[sflag:s23] =	ssyncadd.s32 s6;
	_ =	sdelay $0x1  }
0xa3: {  	s24 =	simm.s32 $0x1B8B  }
0xa4: {  	_ =	swait.ge [sflag:s24], $0x1  }
0xa5: {  	[sflag:s24] =	ssyncset.done $0x0  }
0xa6: {  	s25 =	simm.s32 $0x1B8E;
	[sflag:s24] =	ssyncadd.s32 $0xFFFFFFFF  }
0xa7: {  	s26 =	simm.s32 $execute0_lowered;
	[smem:$0x3FD2] =	sst s25  }
0xa8: {  	s6 =	sshll.u32 s26, $0x1;
	_ =	strace $0x80000046;
	[dreg:$0x1] =	wrdreg $0xFFFFFFFF  }
0xa9: {  	s28 =	simm.s32 $_size_execute0_lowered;
	s5 =	sadd.s32 s5, s6;
	[dreg:$0x0] =	wrdreg $0x0  }
0xaa: {  	s6 =	sshll.u32 s28, $0x1;
	[dreg:$0x2] =	wrdreg s5  }
0xab: {  	[dreg:$0x3] =	wrdreg s6  }
0xac: {  	[dreg:$0x4] =	wrdreg $0xC0  }
0xad: {  	_ =	task [dreg:s9], $0x5FFFF  }
0xae: {  	[dreg:$0x1] =	wrdreg $0xFFFFFFFF  }
0xaf: {  	[dreg:$0x0] =	wrdreg $0x60  }
0xb0: {  	[dreg:$0x2] =	wrdreg s2  }
0xb1: {  	[dreg:$0x3] =	wrdreg s19  }
0xb2: {  	[dreg:$0x4] =	wrdreg s4  }
0xb3: {  	[dreg:$0x5] =	wrdreg $0x9  }
0xb4: {  	_ =	task.clear_ibuf [dreg:s9], $0x6FFFF;
	_ =	strace $0x90000046  }
0xb5: {  	s29 =	simm.s32 $0x9;
	_ =	strace $0x80000048  }
0xb6: {  	_ =	swait.ge [sflag:s29], $0x1  }
0xb7: {  	[sflag:s29] =	ssyncadd.s32 $0xFFFFFFFF  }
0xb8: {  	_ =	strace $0x90000048  }
0xb9: {  	_ =	sfence  }
0xba: {  	s30 =	sld [smem:$0x0];
	_ =	sdelay $0x2  }
0xbb: {  	s31 =	sshll.u32 s1, $0xD;
	s1 =	sshrl.u32 s1, $0x2  }
0xbc: {  	s3 =	sand.u32 $0x4000, s31;
	s1 =	sadd.s32 s1, s30  }
0xbd: {  	s0 =	sor.u32 s3, s0;
	s1 =	sshll.u32 s1, $0x11  }
0xbe: {  	s0 =	sor.u32 s1, s0  }
0xbf: {  	s0 =	sadd.s32 $0x8F2B, s0  }
0xc0: {  	[sflag:s0] =	ssyncadd.remote.s32 $0x1  }
0xc1: {  	_ =	sfence.sel $0xFFFF  }
0xc2: {  	[dreg:$0x0] =	wrdreg $0xFFFFFFFF;
	(pc) =	sbr.abs _section_cstart, $3  }
0xc3: {  	[dreg:$0x1] =	wrdreg $0xFFFFFFFF  }
0xc4: {  	_ =	task.clear_ibuf [dreg:s9], $0x2FFFF;
	_ =	strace $0x9FFFFFFF  }
0xc5: {  	(tm) =	ssettm $0x7FFFFFFF  }
tec
execute0_lowered:
.L_overlay_start_1:
0x0: {  	(tag) =	ssettag $0x1  }
0x1: {  	s0 =	rddreg [dreg:$0x0];
	s3 =	srdreg.scid  }
0x2: {  	s2 =	rddreg [dreg:$0x1];
	s5 =	stileid.u32;
	s4 =	sand.u32 $0x1, s3  }
0x3: {  	s1 =	rddreg [dreg:$0x2];
	s5 =	sshll.u32 s5, $0xA;
	s6 =	sshll.u32 s4, $0x9  }
0x4: {  	s3 =	simm.s32 $0x0;
	s4 =	ssub.s32 $0x2, s4;
	s7 =	sor.u32 s6, s5  }
0x5: {  	[smem:$0x7FF] =	sst s3;
	s17 =	sshrl.u32 s4, $0x1;
	s6 =	sshrl.u32 s7, $0x3  }
0x6: {  	_ =	strace $0x80000047;
	s4 =	ssub.s32 s4, s17;
	s0 =	sadd.s32 s0, s6  }
0x7: {  	s18 =	sshll.u32 s7, $0x7;
	s26 =	smax.u32 s4, $0x1;
	[dreg:$0x4] =	wrdreg s0  }
0x8: {  	s0 =	sadd.s32 s1, s18;
	[dreg:$0xf] =	wrdreg s26  }
0x9: {  	s1 =	sadd.s32 $0x1C00, s0;
	[dreg:$0x5] =	wrdreg s0  }
0xa: {  	s19 =	sadd.s32 $0x3800, s0;
	[dreg:$0x6] =	wrdreg s1  }
0xb: {  	s20 =	sadd.s32 $0x5400, s0;
	[dreg:$0x7] =	wrdreg s19  }
0xc: {  	s21 =	sadd.s32 $0x7000, s0;
	[dreg:$0x8] =	wrdreg s20  }
0xd: {  	s29 =	simm.s32 $0x1;
	s22 =	sadd.s32 $0x8C00, s0;
	[dreg:$0x9] =	wrdreg s21  }
0xe: {  	s30 =	simm.s32 $0x3;
	s23 =	sadd.s32 $0xA800, s0;
	[dreg:$0xa] =	wrdreg s22  }
0xf: {  	s31 =	simm.s32 $0x2;
	s24 =	sadd.s32 $0xC400, s0;
	[dreg:$0xb] =	wrdreg s23  }
0x10: {  	s8 =	sadd.s32 $0x300, s2;
	s25 =	sadd.s32 $0xE000, s0;
	[dreg:$0xc] =	wrdreg s24  }
0x11: {  	s5 =	sadd.s32 $0x100, s2;
	s0 =	sadd.s32 $0xFC00, s0;
	[dreg:$0xd] =	wrdreg s25  }
0x12: {  	v0 =	vlaneseq.u32;
	s28 =	sand.u32 $0xE00, s7;
	s6 =	sadd.s32 $0x200, s2;
	[dreg:$0xe] =	wrdreg s0  }
0x13: {  	vm0 =	vmmov $0xffff;
	v2 =	vshrl.u32 v0, $0x3;
	s0 =	sor.u32 $0x1, s28;
	s21 =	simm.s32 $0x400;
	s24 =	simm.s32 $0xE400  }
0x14: {  	v1 =	vand.u32 $0x7, v0;
	v3 =	vor.u32 $0x8, v0;
	v2 =	vmul.u32 $0x8, v2;
	s1 =	simm.s32 $0x0;
	[dreg:$0x10] =	wrdreg s0;
	s0 =	simm.s32 $0x4  }
.LBB2_1:
0x15: {  	s4 =	rddreg [dreg:$0x4];
	s28 =	simm.s32 $0x5  }
0x16: {  	[tilespmem:s3], [sflag:$0x5] =	stream.linear.gather [hbm4b:s4+s3], $0x200, $0x38;
	[tilespmem:$0x1C400] =	vst v63  }
0x17: {  	_ =	swait.ge [sflag:s28], $0x200  }
0x18: {  	[sflag:s28] =	ssyncset.done $0x0  }
0x19: {  	s4 =	simm.s32 $0x0;
	[sflag:s28] =	ssyncadd.s32 $0xFFFFFE00  }
0x1a: {  	v4 =	vld [tilespmem:s4+$0x0];
	_ =	sdelay $0x3  }
0x1b: {  	s9 =	simm.s32 $0x40;
	s10 =	rddreg [dreg:$0x10]  }
.LBB2_2:
0x1c: {  	s11 =	sshra.s32 s9, $0x2;
	p0 =	sne.s32 s9, $0x7C0;
	s9 =	sadd.s32 $0x40, s9;
	v5 =	vadd.s32 s10, v0;
	vm1 =	veq.s32 v4, $0x0  }
.Ltmp0:
0x1d: {  	v4 =	vld [tilespmem:s11+$0x0];
	v5 =	vsel vm1, $0x0, v5;
	(pc) =	sbr.rel @p0 .LBB2_2-.Ltmp0, $2  }
0x1e: {  	[tilespmem:s4+$0x200] =	vst v5;
	s4 =	smov.u32 s11;
	_ =	sdelay $0x2  }
0x1f: {  	s10 =	sadd.s32 $0x10, s10  }
0x20: {  	v5 =	vadd.s32 s10, v0;
	vm1 =	veq.s32 v4, $0x0  }
0x21: {  	v4 =	vsel vm1, $0x0, v5  }
0x22: {  	[tilespmem:s4+$0x200] =	vst v4  }
0x23: {  	v4 =	vld [tilespmem:$0x200];
	_ =	sdelay $0x4  }
0x24: {  	v5 =	vshll.u32 v4, $0x3  }
0x25: {  	v4 =	vand.u32 $0x7, v4;
	v5 =	vand.u32 $0xFFFFFFC0, v5  }
0x26: {  	v4 =	vor.u32 v4, v5  }
0x27: {  	v5 =	vperm.xlane v4, v1;
	_ =	sdelay $0x1  }
0x28: {  	v5 =	vadd.s32 v2, v5;
	_ =	sdelay $0x4  }
0x29: {  	[tilespmem:s21], [sflag:$0x1] =	stream.indirect_vreg.gather [hbm4b:s2+s3], $0x80, v5, vm0, $0xb8;
	[tilespmem:$0x1C400] =	vst v63  }
0x2a: {  	s23 =	simm.s32 $0xC00;
	v4 =	vperm.xlane v4, v3  }
0x2b: {  	[tilespmem:s23], [sflag:$0x1] =	stream.indirect_vreg.gather [hbm4b:s5+s3], $0x80, v5, vm0, $0xb8;
	[tilespmem:$0x1C400] =	vst v63  }
0x2c: {  	s25 =	simm.s32 $0x1400;
	v4 =	vadd.s32 v2, v4  }
0x2d: {  	[tilespmem:s25], [sflag:$0x1] =	stream.indirect_vreg.gather [hbm4b:s6+s3], $0x80, v5, vm0, $0xb8;
	[tilespmem:$0x1C400] =	vst v63  }
0x2e: {  	s26 =	simm.s32 $0x1C00  }
0x2f: {  	[tilespmem:s26], [sflag:$0x1] =	stream.indirect_vreg.gather [hbm4b:s8+s3], $0x80, v5, vm0, $0xb8;
	[tilespmem:$0x1C400] =	vst v63  }
0x30: {  	s28 =	simm.s32 $0x2400  }
0x31: {  	[tilespmem:s28], [sflag:$0x1] =	stream.indirect_vreg.gather [hbm4b:s2+s3], $0x80, v4, vm0, $0xb8;
	[tilespmem:$0x1C400] =	vst v63  }
0x32: {  	s9 =	simm.s32 $0x2C00  }
0x33: {  	[tilespmem:s9], [sflag:$0x1] =	stream.indirect_vreg.gather [hbm4b:s5+s3], $0x80, v4, vm0, $0xb8;
	[tilespmem:$0x1C400] =	vst v63  }
0x34: {  	s10 =	simm.s32 $0x3400  }
0x35: {  	[tilespmem:s10], [sflag:$0x1] =	stream.indirect_vreg.gather [hbm4b:s6+s3], $0x80, v4, vm0, $0xb8;
	[tilespmem:$0x1C400] =	vst v63  }
0x36: {  	s11 =	simm.s32 $0x3C00  }
0x37: {  	[tilespmem:s11], [sflag:$0x1] =	stream.indirect_vreg.gather [hbm4b:s8+s3], $0x80, v4, vm0, $0xb8;
	[tilespmem:$0x1C400] =	vst v63  }
0x38: {  	v4 =	vld [tilespmem:$0x210];
	_ =	sdelay $0x4  }
0x39: {  	v5 =	vshll.u32 v4, $0x3  }
0x3a: {  	v4 =	vand.u32 $0x7, v4;
	v5 =	vand.u32 $0xFFFFFFC0, v5  }
0x3b: {  	v4 =	vor.u32 v4, v5  }
0x3c: {  	v5 =	vperm.xlane v4, v1;
	_ =	sdelay $0x1  }
0x3d: {  	v5 =	vadd.s32 v2, v5;
	_ =	sdelay $0x3  }
0x3e: {  	s12 =	simm.s32 $0x4400  }
0x3f: {  	[tilespmem:s12], [sflag:$0x1] =	stream.indirect_vreg.gather [hbm4b:s2+s3], $0x80, v5, vm0, $0xb8;
	[tilespmem:$0x1C400] =	vst v63  }
0x40: {  	s13 =	simm.s32 $0x4C00;
	v4 =	vperm.xlane v4, v3  }
0x41: {  	[tilespmem:s13], [sflag:$0x1] =	stream.indirect_vreg.gather [hbm4b:s5+s3], $0x80, v5, vm0, $0xb8;
	[tilespmem:$0x1C400] =	vst v63  }
0x42: {  	s14 =	simm.s32 $0x5400;
	v4 =	vadd.s32 v2, v4  }
0x43: {  	[tilespmem:s14], [sflag:$0x1] =	stream.indirect_vreg.gather [hbm4b:s6+s3], $0x80, v5, vm0, $0xb8;
	[tilespmem:$0x1C400] =	vst v63  }
0x44: {  	s15 =	simm.s32 $0x5C00  }
0x45: {  	[tilespmem:s15], [sflag:$0x1] =	stream.indirect_vreg.gather [hbm4b:s8+s3], $0x80, v5, vm0, $0xb8;
	[tilespmem:$0x1C400] =	vst v63  }
0x46: {  	s16 =	simm.s32 $0x6400  }
0x47: {  	[tilespmem:s16], [sflag:$0x1] =	stream.indirect_vreg.gather [hbm4b:s2+s3], $0x80, v4, vm0, $0xb8;
	[tilespmem:$0x1C400] =	vst v63  }
0x48: {  	s17 =	simm.s32 $0x6C00  }
0x49: {  	[tilespmem:s17], [sflag:$0x1] =	stream.indirect_vreg.gather [hbm4b:s5+s3], $0x80, v4, vm0, $0xb8;
	[tilespmem:$0x1C400] =	vst v63  }
0x4a: {  	s18 =	simm.s32 $0x7400  }
0x4b: {  	[tilespmem:s18], [sflag:$0x1] =	stream.indirect_vreg.gather [hbm4b:s6+s3], $0x80, v4, vm0, $0xb8;
	[tilespmem:$0x1C400] =	vst v63  }
0x4c: {  	s19 =	simm.s32 $0x7C00  }
0x4d: {  	[tilespmem:s19], [sflag:$0x1] =	stream.indirect_vreg.gather [hbm4b:s8+s3], $0x80, v4, vm0, $0xb8;
	[tilespmem:$0x1C400] =	vst v63  }
0x4e: {  	v4 =	vld [tilespmem:$0x220];
	_ =	sdelay $0x4  }
0x4f: {  	v5 =	vshll.u32 v4, $0x3  }
0x50: {  	v4 =	vand.u32 $0x7, v4;
	v5 =	vand.u32 $0xFFFFFFC0, v5  }
0x51: {  	v4 =	vor.u32 v4, v5  }
0x52: {  	v5 =	vperm.xlane v4, v1;
	_ =	sdelay $0x1  }
0x53: {  	v5 =	vadd.s32 v2, v5;
	_ =	sdelay $0x3  }
0x54: {  	s20 =	simm.s32 $0x8400  }
0x55: {  	[tilespmem:s20], [sflag:$0x1] =	stream.indirect_vreg.gather [hbm4b:s2+s3], $0x80, v5, vm0, $0xb8;
	[tilespmem:$0x1C400] =	vst v63  }
0x56: {  	s22 =	simm.s32 $0x8C00;
	v4 =	vperm.xlane v4, v3  }
0x57: {  	[tilespmem:s22], [sflag:$0x1] =	stream.indirect_vreg.gather [hbm4b:s5+s3], $0x80, v5, vm0, $0xb8;
	[tilespmem:$0x1C400] =	vst v63  }
0x58: {  	s23 =	simm.s32 $0x9400;
	v4 =	vadd.s32 v2, v4  }
0x59: {  	[tilespmem:s23], [sflag:$0x1] =	stream.indirect_vreg.gather [hbm4b:s6+s3], $0x80, v5, vm0, $0xb8;
	[tilespmem:$0x1C400] =	vst v63  }
0x5a: {  	s25 =	simm.s32 $0x9C00  }
0x5b: {  	[tilespmem:s25], [sflag:$0x1] =	stream.indirect_vreg.gather [hbm4b:s8+s3], $0x80, v5, vm0, $0xb8;
	[tilespmem:$0x1C400] =	vst v63  }
0x5c: {  	s26 =	simm.s32 $0xA400  }
0x5d: {  	[tilespmem:s26], [sflag:$0x1] =	stream.indirect_vreg.gather [hbm4b:s2+s3], $0x80, v4, vm0, $0xb8;
	[tilespmem:$0x1C400] =	vst v63  }
0x5e: {  	s28 =	simm.s32 $0xAC00  }
0x5f: {  	[tilespmem:s28], [sflag:$0x1] =	stream.indirect_vreg.gather [hbm4b:s5+s3], $0x80, v4, vm0, $0xb8;
	[tilespmem:$0x1C400] =	vst v63  }
0x60: {  	s15 =	simm.s32 $0xB400  }
0x61: {  	[tilespmem:s15], [sflag:$0x1] =	stream.indirect_vreg.gather [hbm4b:s6+s3], $0x80, v4, vm0, $0xb8;
	[tilespmem:$0x1C400] =	vst v63  }
0x62: {  	s16 =	simm.s32 $0xBC00  }
0x63: {  	[tilespmem:s16], [sflag:$0x1] =	stream.indirect_vreg.gather [hbm4b:s8+s3], $0x80, v4, vm0, $0xb8;
	[tilespmem:$0x1C400] =	vst v63  }
0x64: {  	v4 =	vld.msk [tilespmem:$0x230], $0xff;
	_ =	sdelay $0x4  }
0x65: {  	v5 =	vshll.u32 v4, $0x3  }
0x66: {  	v4 =	vand.u32 $0x7, v4;
	v5 =	vand.u32 $0xFFFFFFC0, v5  }
0x67: {  	v4 =	vor.u32 v4, v5  }
0x68: {  	v4 =	vperm.xlane v4, v1;
	_ =	sdelay $0x1  }
0x69: {  	v4 =	vadd.s32 v2, v4;
	_ =	sdelay $0x3  }
0x6a: {  	s25 =	simm.s32 $0xC400  }
0x6b: {  	[tilespmem:s25], [sflag:$0x1] =	stream.indirect_vreg.gather [hbm4b:s2+s3], $0x80, v4, vm0, $0xb8;
	[tilespmem:$0x1C400] =	vst v63  }
0x6c: {  	s26 =	simm.s32 $0xCC00  }
0x6d: {  	[tilespmem:s26], [sflag:$0x1] =	stream.indirect_vreg.gather [hbm4b:s5+s3], $0x80, v4, vm0, $0xb8;
	[tilespmem:$0x1C400] =	vst v63  }
0x6e: {  	s28 =	simm.s32 $0xD400  }
0x6f: {  	[tilespmem:s28], [sflag:$0x1] =	stream.indirect_vreg.gather [hbm4b:s6+s3], $0x80, v4, vm0, $0xb8;
	[tilespmem:$0x1C400] =	vst v63  }
0x70: {  	s16 =	simm.s32 $0xDC00  }
0x71: {  	[tilespmem:s16], [sflag:$0x1] =	stream.indirect_vreg.gather [hbm4b:s8+s3], $0x80, v4, vm0, $0xb8;
	[tilespmem:$0x1C400] =	vst v63  }
0x72: {  	v4 =	vld [tilespmem:$0x238];
	_ =	sdelay $0x4  }
0x73: {  	v5 =	vshll.u32 v4, $0x3  }
0x74: {  	v4 =	vand.u32 $0x7, v4;
	v5 =	vand.u32 $0xFFFFFFC0, v5  }
0x75: {  	v4 =	vor.u32 v4, v5  }
0x76: {  	v5 =	vperm.xlane v4, v1;
	_ =	sdelay $0x1  }
0x77: {  	v5 =	vadd.s32 v2, v5;
	_ =	sdelay $0x4  }
0x78: {  	[tilespmem:s24], [sflag:$0x2] =	stream.indirect_vreg.gather [hbm4b:s2+s3], $0x80, v5, vm0, $0xb8;
	[tilespmem:$0x1C400] =	vst v63  }
0x79: {  	s4 =	simm.s32 $0xEC00;
	v4 =	vperm.xlane v4, v3  }
0x7a: {  	[tilespmem:s4], [sflag:$0x2] =	stream.indirect_vreg.gather [hbm4b:s5+s3], $0x80, v5, vm0, $0xb8;
	[tilespmem:$0x1C400] =	vst v63  }
0x7b: {  	v4 =	vadd.s32 v2, v4;
	s4 =	simm.s32 $0xF400  }
0x7c: {  	[tilespmem:s4], [sflag:$0x2] =	stream.indirect_vreg.gather [hbm4b:s6+s3], $0x80, v5, vm0, $0xb8;
	[tilespmem:$0x1C400] =	vst v63  }
0x7d: {  	s4 =	simm.s32 $0xFC00  }
0x7e: {  	[tilespmem:s4], [sflag:$0x2] =	stream.indirect_vreg.gather [hbm4b:s8+s3], $0x80, v5, vm0, $0xb8;
	[tilespmem:$0x1C400] =	vst v63  }
0x7f: {  	s4 =	simm.s32 $0x10400  }
0x80: {  	[tilespmem:s4], [sflag:$0x2] =	stream.indirect_vreg.gather [hbm4b:s2+s3], $0x80, v4, vm0, $0xb8;
	[tilespmem:$0x1C400] =	vst v63  }
0x81: {  	s4 =	simm.s32 $0x10C00  }
0x82: {  	[tilespmem:s4], [sflag:$0x2] =	stream.indirect_vreg.gather [hbm4b:s5+s3], $0x80, v4, vm0, $0xb8;
	[tilespmem:$0x1C400] =	vst v63  }
0x83: {  	s4 =	simm.s32 $0x11400  }
0x84: {  	[tilespmem:s4], [sflag:$0x2] =	stream.indirect_vreg.gather [hbm4b:s6+s3], $0x80, v4, vm0, $0xb8;
	[tilespmem:$0x1C400] =	vst v63  }
0x85: {  	s4 =	simm.s32 $0x11C00  }
0x86: {  	[tilespmem:s4], [sflag:$0x2] =	stream.indirect_vreg.gather [hbm4b:s8+s3], $0x80, v4, vm0, $0xb8;
	[tilespmem:$0x1C400] =	vst v63  }
0x87: {  	v4 =	vld [tilespmem:$0x248];
	_ =	sdelay $0x4  }
0x88: {  	v5 =	vshll.u32 v4, $0x3  }
0x89: {  	v4 =	vand.u32 $0x7, v4;
	v5 =	vand.u32 $0xFFFFFFC0, v5  }
0x8a: {  	v4 =	vor.u32 v4, v5  }
0x8b: {  	v5 =	vperm.xlane v4, v1;
	_ =	sdelay $0x1  }
0x8c: {  	v5 =	vadd.s32 v2, v5;
	_ =	sdelay $0x3  }
0x8d: {  	s4 =	simm.s32 $0x12400  }
0x8e: {  	[tilespmem:s4], [sflag:$0x2] =	stream.indirect_vreg.gather [hbm4b:s2+s3], $0x80, v5, vm0, $0xb8;
	[tilespmem:$0x1C400] =	vst v63  }
0x8f: {  	v4 =	vperm.xlane v4, v3;
	s4 =	simm.s32 $0x12C00  }
0x90: {  	[tilespmem:s4], [sflag:$0x2] =	stream.indirect_vreg.gather [hbm4b:s5+s3], $0x80, v5, vm0, $0xb8;
	[tilespmem:$0x1C400] =	vst v63  }
0x91: {  	v4 =	vadd.s32 v2, v4;
	s4 =	simm.s32 $0x13400  }
0x92: {  	[tilespmem:s4], [sflag:$0x2] =	stream.indirect_vreg.gather [hbm4b:s6+s3], $0x80, v5, vm0, $0xb8;
	[tilespmem:$0x1C400] =	vst v63  }
0x93: {  	s4 =	simm.s32 $0x13C00  }
0x94: {  	[tilespmem:s4], [sflag:$0x2] =	stream.indirect_vreg.gather [hbm4b:s8+s3], $0x80, v5, vm0, $0xb8;
	[tilespmem:$0x1C400] =	vst v63  }
0x95: {  	s4 =	simm.s32 $0x14400  }
0x96: {  	[tilespmem:s4], [sflag:$0x2] =	stream.indirect_vreg.gather [hbm4b:s2+s3], $0x80, v4, vm0, $0xb8;
	[tilespmem:$0x1C400] =	vst v63  }
0x97: {  	s4 =	simm.s32 $0x14C00  }
0x98: {  	[tilespmem:s4], [sflag:$0x2] =	stream.indirect_vreg.gather [hbm4b:s5+s3], $0x80, v4, vm0, $0xb8;
	[tilespmem:$0x1C400] =	vst v63  }
0x99: {  	s4 =	simm.s32 $0x15400  }
0x9a: {  	[tilespmem:s4], [sflag:$0x2] =	stream.indirect_vreg.gather [hbm4b:s6+s3], $0x80, v4, vm0, $0xb8;
	[tilespmem:$0x1C400] =	vst v63  }
0x9b: {  	s4 =	simm.s32 $0x15C00  }
0x9c: {  	[tilespmem:s4], [sflag:$0x2] =	stream.indirect_vreg.gather [hbm4b:s8+s3], $0x80, v4, vm0, $0xb8;
	[tilespmem:$0x1C400] =	vst v63  }
0x9d: {  	v4 =	vld [tilespmem:$0x258];
	_ =	sdelay $0x4  }
0x9e: {  	v5 =	vshll.u32 v4, $0x3  }
0x9f: {  	v4 =	vand.u32 $0x7, v4;
	v5 =	vand.u32 $0xFFFFFFC0, v5  }
0xa0: {  	v4 =	vor.u32 v4, v5  }
0xa1: {  	v5 =	vperm.xlane v4, v1;
	_ =	sdelay $0x1  }
0xa2: {  	v5 =	vadd.s32 v2, v5;
	_ =	sdelay $0x3  }
0xa3: {  	s4 =	simm.s32 $0x16400  }
0xa4: {  	[tilespmem:s4], [sflag:$0x2] =	stream.indirect_vreg.gather [hbm4b:s2+s3], $0x80, v5, vm0, $0xb8;
	[tilespmem:$0x1C400] =	vst v63  }
0xa5: {  	v4 =	vperm.xlane v4, v3;
	s4 =	simm.s32 $0x16C00  }
0xa6: {  	[tilespmem:s4], [sflag:$0x2] =	stream.indirect_vreg.gather [hbm4b:s5+s3], $0x80, v5, vm0, $0xb8;
	[tilespmem:$0x1C400] =	vst v63  }
0xa7: {  	v4 =	vadd.s32 v2, v4;
	s4 =	simm.s32 $0x17400  }
0xa8: {  	[tilespmem:s4], [sflag:$0x2] =	stream.indirect_vreg.gather [hbm4b:s6+s3], $0x80, v5, vm0, $0xb8;
	[tilespmem:$0x1C400] =	vst v63  }
0xa9: {  	s4 =	simm.s32 $0x17C00  }
0xaa: {  	[tilespmem:s4], [sflag:$0x2] =	stream.indirect_vreg.gather [hbm4b:s8+s3], $0x80, v5, vm0, $0xb8;
	[tilespmem:$0x1C400] =	vst v63  }
0xab: {  	s4 =	simm.s32 $0x18400  }
0xac: {  	[tilespmem:s4], [sflag:$0x2] =	stream.indirect_vreg.gather [hbm4b:s2+s3], $0x80, v4, vm0, $0xb8;
	[tilespmem:$0x1C400] =	vst v63  }
0xad: {  	s4 =	simm.s32 $0x18C00  }
0xae: {  	[tilespmem:s4], [sflag:$0x2] =	stream.indirect_vreg.gather [hbm4b:s5+s3], $0x80, v4, vm0, $0xb8;
	[tilespmem:$0x1C400] =	vst v63  }
0xaf: {  	s4 =	simm.s32 $0x19400  }
0xb0: {  	[tilespmem:s4], [sflag:$0x2] =	stream.indirect_vreg.gather [hbm4b:s6+s3], $0x80, v4, vm0, $0xb8;
	[tilespmem:$0x1C400] =	vst v63  }
0xb1: {  	s4 =	simm.s32 $0x19C00  }
0xb2: {  	[tilespmem:s4], [sflag:$0x2] =	stream.indirect_vreg.gather [hbm4b:s8+s3], $0x80, v4, vm0, $0xb8;
	[tilespmem:$0x1C400] =	vst v63  }
0xb3: {  	v4 =	vld.msk [tilespmem:$0x268], $0xff;
	_ =	sdelay $0x4  }
0xb4: {  	v5 =	vshll.u32 v4, $0x3  }
0xb5: {  	v4 =	vand.u32 $0x7, v4;
	v5 =	vand.u32 $0xFFFFFFC0, v5  }
0xb6: {  	v4 =	vor.u32 v4, v5  }
0xb7: {  	v4 =	vperm.xlane v4, v1;
	_ =	sdelay $0x1  }
0xb8: {  	v4 =	vadd.s32 v2, v4;
	_ =	sdelay $0x3  }
0xb9: {  	s4 =	simm.s32 $0x1A400  }
0xba: {  	[tilespmem:s4], [sflag:$0x2] =	stream.indirect_vreg.gather [hbm4b:s2+s3], $0x80, v4, vm0, $0xb8;
	[tilespmem:$0x1C400] =	vst v63  }
0xbb: {  	s4 =	simm.s32 $0x1AC00  }
0xbc: {  	[tilespmem:s4], [sflag:$0x2] =	stream.indirect_vreg.gather [hbm4b:s5+s3], $0x80, v4, vm0, $0xb8;
	[tilespmem:$0x1C400] =	vst v63  }
0xbd: {  	s4 =	simm.s32 $0x1B400  }
0xbe: {  	[tilespmem:s4], [sflag:$0x2] =	stream.indirect_vreg.gather [hbm4b:s6+s3], $0x80, v4, vm0, $0xb8;
	[tilespmem:$0x1C400] =	vst v63  }
0xbf: {  	s4 =	simm.s32 $0x1BC00  }
0xc0: {  	[tilespmem:s4], [sflag:$0x2] =	stream.indirect_vreg.gather [hbm4b:s8+s3], $0x80, v4, vm0, $0xb8;
	[tilespmem:$0x1C400] =	vst v63  }
0xc1: {  	_ =	swait.ge [sflag:s29], $0xE000  }
0xc2: {  	[sflag:s29] =	ssyncset.done $0x0  }
0xc3: {  	s4 =	rddreg [dreg:$0x5];
	[sflag:s29] =	ssyncadd.s32 $0xFFFF2000  }
0xc4: {  	[hbm4b:s4+s3] =	stream.linear.scatter [tilespmem:s21], [sflag:$0x3], $0xE000, $0x38;
	[tilespmem:$0x1C400] =	vst v63  }
0xc5: {  	_ =	swait.ge [sflag:s30], $0xE000  }
0xc6: {  	[sflag:s30] =	ssyncset.done $0x0  }
0xc7: {  	[sflag:s30] =	ssyncadd.s32 $0xFFFF2000  }
0xc8: {  	v4 =	vld [tilespmem:$0x270];
	_ =	sdelay $0x4  }
0xc9: {  	v5 =	vshll.u32 v4, $0x3  }
0xca: {  	v4 =	vand.u32 $0x7, v4;
	v5 =	vand.u32 $0xFFFFFFC0, v5  }
0xcb: {  	v4 =	vor.u32 v4, v5  }
0xcc: {  	v5 =	vperm.xlane v4, v1;
	_ =	sdelay $0x1  }
0xcd: {  	v5 =	vadd.s32 v2, v5;
	_ =	sdelay $0x4  }
0xce: {  	[tilespmem:s21], [sflag:$0x1] =	stream.indirect_vreg.gather [hbm4b:s2+s3], $0x80, v5, vm0, $0xb8;
	[tilespmem:$0x1C400] =	vst v63  }
0xcf: {  	s7 =	simm.s32 $0xC00;
	v4 =	vperm.xlane v4, v3  }
0xd0: {  	[tilespmem:s7], [sflag:$0x1] =	stream.indirect_vreg.gather [hbm4b:s5+s3], $0x80, v5, vm0, $0xb8;
	[tilespmem:$0x1C400] =	vst v63  }
0xd1: {  	v4 =	vadd.s32 v2, v4;
	s7 =	simm.s32 $0x1400  }
0xd2: {  	[tilespmem:s7], [sflag:$0x1] =	stream.indirect_vreg.gather [hbm4b:s6+s3], $0x80, v5, vm0, $0xb8;
	[tilespmem:$0x1C400] =	vst v63  }
0xd3: {  	s4 =	simm.s32 $0x1C00  }
0xd4: {  	[tilespmem:s4], [sflag:$0x1] =	stream.indirect_vreg.gather [hbm4b:s8+s3], $0x80, v5, vm0, $0xb8;
	[tilespmem:$0x1C400] =	vst v63  }
0xd5: {  	s4 =	simm.s32 $0x2400  }
0xd6: {  	[tilespmem:s4], [sflag:$0x1] =	stream.indirect_vreg.gather [hbm4b:s2+s3], $0x80, v4, vm0, $0xb8;
	[tilespmem:$0x1C400] =	vst v63  }
0xd7: {  	s4 =	simm.s32 $0x2C00  }
0xd8: {  	[tilespmem:s4], [sflag:$0x1] =	stream.indirect_vreg.gather [hbm4b:s5+s3], $0x80, v4, vm0, $0xb8;
	[tilespmem:$0x1C400] =	vst v63  }
0xd9: {  	s4 =	simm.s32 $0x3400  }
0xda: {  	[tilespmem:s4], [sflag:$0x1] =	stream.indirect_vreg.gather [hbm4b:s6+s3], $0x80, v4, vm0, $0xb8;
	[tilespmem:$0x1C400] =	vst v63  }
0xdb: {  	s9 =	simm.s32 $0x3C00  }
0xdc: {  	[tilespmem:s9], [sflag:$0x1] =	stream.indirect_vreg.gather [hbm4b:s8+s3], $0x80, v4, vm0, $0xb8;
	[tilespmem:$0x1C400] =	vst v63  }
0xdd: {  	v4 =	vld [tilespmem:$0x280];
	_ =	sdelay $0x4  }
0xde: {  	v5 =	vshll.u32 v4, $0x3  }
0xdf: {  	v4 =	vand.u32 $0x7, v4;
	v5 =	vand.u32 $0xFFFFFFC0, v5  }
0xe0: {  	v4 =	vor.u32 v4, v5  }
0xe1: {  	v5 =	vperm.xlane v4, v1;
	_ =	sdelay $0x1  }
0xe2: {  	v5 =	vadd.s32 v2, v5;
	_ =	sdelay $0x3  }
0xe3: {  	s10 =	simm.s32 $0x4400  }
0xe4: {  	[tilespmem:s10], [sflag:$0x1] =	stream.indirect_vreg.gather [hbm4b:s2+s3], $0x80, v5, vm0, $0xb8;
	[tilespmem:$0x1C400] =	vst v63  }
0xe5: {  	s11 =	simm.s32 $0x4C00;
	v4 =	vperm.xlane v4, v3  }
0xe6: {  	[tilespmem:s11], [sflag:$0x1] =	stream.indirect_vreg.gather [hbm4b:s5+s3], $0x80, v5, vm0, $0xb8;
	[tilespmem:$0x1C400] =	vst v63  }
0xe7: {  	s9 =	simm.s32 $0x5400;
	v4 =	vadd.s32 v2, v4  }
0xe8: {  	[tilespmem:s9], [sflag:$0x1] =	stream.indirect_vreg.gather [hbm4b:s6+s3], $0x80, v5, vm0, $0xb8;
	[tilespmem:$0x1C400] =	vst v63  }
0xe9: {  	s10 =	simm.s32 $0x5C00  }
0xea: {  	[tilespmem:s10], [sflag:$0x1] =	stream.indirect_vreg.gather [hbm4b:s8+s3], $0x80, v5, vm0, $0xb8;
	[tilespmem:$0x1C400] =	vst v63  }
0xeb: {  	s11 =	simm.s32 $0x6400  }
0xec: {  	[tilespmem:s11], [sflag:$0x1] =	stream.indirect_vreg.gather [hbm4b:s2+s3], $0x80, v4, vm0, $0xb8;
	[tilespmem:$0x1C400] =	vst v63  }
0xed: {  	s4 =	simm.s32 $0x6C00  }
0xee: {  	[tilespmem:s4], [sflag:$0x1] =	stream.indirect_vreg.gather [hbm4b:s5+s3], $0x80, v4, vm0, $0xb8;
	[tilespmem:$0x1C400] =	vst v63  }
0xef: {  	s17 =	simm.s32 $0x7400  }
0xf0: {  	[tilespmem:s17], [sflag:$0x1] =	stream.indirect_vreg.gather [hbm4b:s6+s3], $0x80, v4, vm0, $0xb8;
	[tilespmem:$0x1C400] =	vst v63  }
0xf1: {  	s12 =	simm.s32 $0x7C00  }
0xf2: {  	[tilespmem:s12], [sflag:$0x1] =	stream.indirect_vreg.gather [hbm4b:s8+s3], $0x80, v4, vm0, $0xb8;
	[tilespmem:$0x1C400] =	vst v63  }
0xf3: {  	v4 =	vld [tilespmem:$0x290];
	_ =	sdelay $0x4  }
0xf4: {  	v5 =	vshll.u32 v4, $0x3  }
0xf5: {  	v4 =	vand.u32 $0x7, v4;
	v5 =	vand.u32 $0xFFFFFFC0, v5  }
0xf6: {  	v4 =	vor.u32 v4, v5  }
0xf7: {  	v5 =	vperm.xlane v4, v1;
	_ =	sdelay $0x1  }
0xf8: {  	v5 =	vadd.s32 v2, v5;
	_ =	sdelay $0x3  }
0xf9: {  	s13 =	simm.s32 $0x8400  }
0xfa: {  	[tilespmem:s13], [sflag:$0x1] =	stream.indirect_vreg.gather [hbm4b:s2+s3], $0x80, v5, vm0, $0xb8;
	[tilespmem:$0x1C400] =	vst v63  }
0xfb: {  	s14 =	simm.s32 $0x8C00;
	v4 =	vperm.xlane v4, v3  }
0xfc: {  	[tilespmem:s14], [sflag:$0x1] =	stream.indirect_vreg.gather [hbm4b:s5+s3], $0x80, v5, vm0, $0xb8;
	[tilespmem:$0x1C400] =	vst v63  }
0xfd: {  	s18 =	simm.s32 $0x9400;
	v4 =	vadd.s32 v2, v4  }
0xfe: {  	[tilespmem:s18], [sflag:$0x1] =	stream.indirect_vreg.gather [hbm4b:s6+s3], $0x80, v5, vm0, $0xb8;
	[tilespmem:$0x1C400] =	vst v63  }
0xff: {  	s19 =	simm.s32 $0x9C00  }
0x100: {  	[tilespmem:s19], [sflag:$0x1] =	stream.indirect_vreg.gather [hbm4b:s8+s3], $0x80, v5, vm0, $0xb8;
	[tilespmem:$0x1C400] =	vst v63  }
0x101: {  	s20 =	simm.s32 $0xA400  }
0x102: {  	[tilespmem:s20], [sflag:$0x1] =	stream.indirect_vreg.gather [hbm4b:s2+s3], $0x80, v4, vm0, $0xb8;
	[tilespmem:$0x1C400] =	vst v63  }
0x103: {  	s22 =	simm.s32 $0xAC00  }
0x104: {  	[tilespmem:s22], [sflag:$0x1] =	stream.indirect_vreg.gather [hbm4b:s5+s3], $0x80, v4, vm0, $0xb8;
	[tilespmem:$0x1C400] =	vst v63  }
0x105: {  	s23 =	simm.s32 $0xB400  }
0x106: {  	[tilespmem:s23], [sflag:$0x1] =	stream.indirect_vreg.gather [hbm4b:s6+s3], $0x80, v4, vm0, $0xb8;
	[tilespmem:$0x1C400] =	vst v63  }
0x107: {  	s15 =	simm.s32 $0xBC00  }
0x108: {  	[tilespmem:s15], [sflag:$0x1] =	stream.indirect_vreg.gather [hbm4b:s8+s3], $0x80, v4, vm0, $0xb8;
	[tilespmem:$0x1C400] =	vst v63  }
0x109: {  	v4 =	vld.msk [tilespmem:$0x2A0], $0xff;
	_ =	sdelay $0x4  }
0x10a: {  	v5 =	vshll.u32 v4, $0x3  }
0x10b: {  	v4 =	vand.u32 $0x7, v4;
	v5 =	vand.u32 $0xFFFFFFC0, v5  }
0x10c: {  	v4 =	vor.u32 v4, v5  }
0x10d: {  	v4 =	vperm.xlane v4, v1;
	_ =	sdelay $0x1  }
0x10e: {  	v4 =	vadd.s32 v2, v4;
	_ =	sdelay $0x3  }
0x10f: {  	s25 =	simm.s32 $0xC400  }
0x110: {  	[tilespmem:s25], [sflag:$0x1] =	stream.indirect_vreg.gather [hbm4b:s2+s3], $0x80, v4, vm0, $0xb8;
	[tilespmem:$0x1C400] =	vst v63  }
0x111: {  	s26 =	simm.s32 $0xCC00  }
0x112: {  	[tilespmem:s26], [sflag:$0x1] =	stream.indirect_vreg.gather [hbm4b:s5+s3], $0x80, v4, vm0, $0xb8;
	[tilespmem:$0x1C400] =	vst v63  }
0x113: {  	s28 =	simm.s32 $0xD400  }
0x114: {  	[tilespmem:s28], [sflag:$0x1] =	stream.indirect_vreg.gather [hbm4b:s6+s3], $0x80, v4, vm0, $0xb8;
	[tilespmem:$0x1C400] =	vst v63  }
0x115: {  	s16 =	simm.s32 $0xDC00  }
0x116: {  	[tilespmem:s16], [sflag:$0x1] =	stream.indirect_vreg.gather [hbm4b:s8+s3], $0x80, v4, vm0, $0xb8;
	[tilespmem:$0x1C400] =	vst v63  }
0x117: {  	_ =	swait.ge [sflag:s31], $0xE000  }
0x118: {  	[sflag:s31] =	ssyncset.done $0x0  }
0x119: {  	s28 =	rddreg [dreg:$0x6];
	[sflag:s31] =	ssyncadd.s32 $0xFFFF2000  }
0x11a: {  	[hbm4b:s28+s3] =	stream.linear.scatter [tilespmem:s24], [sflag:$0x4], $0xE000, $0x38;
	[tilespmem:$0x1C400] =	vst v63  }
0x11b: {  	_ =	swait.ge [sflag:s0], $0xE000  }
0x11c: {  	[sflag:s0] =	ssyncset.done $0x0  }
0x11d: {  	[sflag:s0] =	ssyncadd.s32 $0xFFFF2000  }
0x11e: {  	v4 =	vld [tilespmem:$0x2A8];
	_ =	sdelay $0x4  }
0x11f: {  	v5 =	vshll.u32 v4, $0x3  }
0x120: {  	v4 =	vand.u32 $0x7, v4;
	v5 =	vand.u32 $0xFFFFFFC0, v5  }
0x121: {  	v4 =	vor.u32 v4, v5  }
0x122: {  	v5 =	vperm.xlane v4, v1;
	_ =	sdelay $0x1  }
0x123: {  	v5 =	vadd.s32 v2, v5;
	_ =	sdelay $0x4  }
0x124: {  	[tilespmem:s24], [sflag:$0x2] =	stream.indirect_vreg.gather [hbm4b:s2+s3], $0x80, v5, vm0, $0xb8;
	[tilespmem:$0x1C400] =	vst v63  }
0x125: {  	s25 =	simm.s32 $0xEC00;
	v4 =	vperm.xlane v4, v3  }
0x126: {  	[tilespmem:s25], [sflag:$0x2] =	stream.indirect_vreg.gather [hbm4b:s5+s3], $0x80, v5, vm0, $0xb8;
	[tilespmem:$0x1C400] =	vst v63  }
0x127: {  	s26 =	simm.s32 $0xF400;
	v4 =	vadd.s32 v2, v4  }
0x128: {  	[tilespmem:s26], [sflag:$0x2] =	stream.indirect_vreg.gather [hbm4b:s6+s3], $0x80, v5, vm0, $0xb8;
	[tilespmem:$0x1C400] =	vst v63  }
0x129: {  	s28 =	simm.s32 $0xFC00  }
0x12a: {  	[tilespmem:s28], [sflag:$0x2] =	stream.indirect_vreg.gather [hbm4b:s8+s3], $0x80, v5, vm0, $0xb8;
	[tilespmem:$0x1C400] =	vst v63  }
0x12b: {  	s4 =	simm.s32 $0x10400  }
0x12c: {  	[tilespmem:s4], [sflag:$0x2] =	stream.indirect_vreg.gather [hbm4b:s2+s3], $0x80, v4, vm0, $0xb8;
	[tilespmem:$0x1C400] =	vst v63  }
0x12d: {  	s4 =	simm.s32 $0x10C00  }
0x12e: {  	[tilespmem:s4], [sflag:$0x2] =	stream.indirect_vreg.gather [hbm4b:s5+s3], $0x80, v4, vm0, $0xb8;
	[tilespmem:$0x1C400] =	vst v63  }
0x12f: {  	s4 =	simm.s32 $0x11400  }
0x130: {  	[tilespmem:s4], [sflag:$0x2] =	stream.indirect_vreg.gather [hbm4b:s6+s3], $0x80, v4, vm0, $0xb8;
	[tilespmem:$0x1C400] =	vst v63  }
0x131: {  	s4 =	simm.s32 $0x11C00  }
0x132: {  	[tilespmem:s4], [sflag:$0x2] =	stream.indirect_vreg.gather [hbm4b:s8+s3], $0x80, v4, vm0, $0xb8;
	[tilespmem:$0x1C400] =	vst v63  }
0x133: {  	v4 =	vld [tilespmem:$0x2B8];
	_ =	sdelay $0x4  }
0x134: {  	v5 =	vshll.u32 v4, $0x3  }
0x135: {  	v4 =	vand.u32 $0x7, v4;
	v5 =	vand.u32 $0xFFFFFFC0, v5  }
0x136: {  	v4 =	vor.u32 v4, v5  }
0x137: {  	v5 =	vperm.xlane v4, v1;
	_ =	sdelay $0x1  }
0x138: {  	v5 =	vadd.s32 v2, v5;
	_ =	sdelay $0x3  }
0x139: {  	s4 =	simm.s32 $0x12400  }
0x13a: {  	[tilespmem:s4], [sflag:$0x2] =	stream.indirect_vreg.gather [hbm4b:s2+s3], $0x80, v5, vm0, $0xb8;
	[tilespmem:$0x1C400] =	vst v63  }
0x13b: {  	v4 =	vperm.xlane v4, v3;
	s4 =	simm.s32 $0x12C00  }
0x13c: {  	[tilespmem:s4], [sflag:$0x2] =	stream.indirect_vreg.gather [hbm4b:s5+s3], $0x80, v5, vm0, $0xb8;
	[tilespmem:$0x1C400] =	vst v63  }
0x13d: {  	v4 =	vadd.s32 v2, v4;
	s4 =	simm.s32 $0x13400  }
0x13e: {  	[tilespmem:s4], [sflag:$0x2] =	stream.indirect_vreg.gather [hbm4b:s6+s3], $0x80, v5, vm0, $0xb8;
	[tilespmem:$0x1C400] =	vst v63  }
0x13f: {  	s4 =	simm.s32 $0x13C00  }
0x140: {  	[tilespmem:s4], [sflag:$0x2] =	stream.indirect_vreg.gather [hbm4b:s8+s3], $0x80, v5, vm0, $0xb8;
	[tilespmem:$0x1C400] =	vst v63  }
0x141: {  	s4 =	simm.s32 $0x14400  }
0x142: {  	[tilespmem:s4], [sflag:$0x2] =	stream.indirect_vreg.gather [hbm4b:s2+s3], $0x80, v4, vm0, $0xb8;
	[tilespmem:$0x1C400] =	vst v63  }
0x143: {  	s4 =	simm.s32 $0x14C00  }
0x144: {  	[tilespmem:s4], [sflag:$0x2] =	stream.indirect_vreg.gather [hbm4b:s5+s3], $0x80, v4, vm0, $0xb8;
	[tilespmem:$0x1C400] =	vst v63  }
0x145: {  	s4 =	simm.s32 $0x15400  }
0x146: {  	[tilespmem:s4], [sflag:$0x2] =	stream.indirect_vreg.gather [hbm4b:s6+s3], $0x80, v4, vm0, $0xb8;
	[tilespmem:$0x1C400] =	vst v63  }
0x147: {  	s4 =	simm.s32 $0x15C00  }
0x148: {  	[tilespmem:s4], [sflag:$0x2] =	stream.indirect_vreg.gather [hbm4b:s8+s3], $0x80, v4, vm0, $0xb8;
	[tilespmem:$0x1C400] =	vst v63  }
0x149: {  	v4 =	vld [tilespmem:$0x2C8];
	_ =	sdelay $0x4  }
0x14a: {  	v5 =	vshll.u32 v4, $0x3  }
0x14b: {  	v4 =	vand.u32 $0x7, v4;
	v5 =	vand.u32 $0xFFFFFFC0, v5  }
0x14c: {  	v4 =	vor.u32 v4, v5  }
0x14d: {  	v5 =	vperm.xlane v4, v1;
	_ =	sdelay $0x1  }
0x14e: {  	v5 =	vadd.s32 v2, v5;
	_ =	sdelay $0x3  }
0x14f: {  	s4 =	simm.s32 $0x16400  }
0x150: {  	[tilespmem:s4], [sflag:$0x2] =	stream.indirect_vreg.gather [hbm4b:s2+s3], $0x80, v5, vm0, $0xb8;
	[tilespmem:$0x1C400] =	vst v63  }
0x151: {  	v4 =	vperm.xlane v4, v3;
	s4 =	simm.s32 $0x16C00  }
0x152: {  	[tilespmem:s4], [sflag:$0x2] =	stream.indirect_vreg.gather [hbm4b:s5+s3], $0x80, v5, vm0, $0xb8;
	[tilespmem:$0x1C400] =	vst v63  }
0x153: {  	v4 =	vadd.s32 v2, v4;
	s4 =	simm.s32 $0x17400  }
0x154: {  	[tilespmem:s4], [sflag:$0x2] =	stream.indirect_vreg.gather [hbm4b:s6+s3], $0x80, v5, vm0, $0xb8;
	[tilespmem:$0x1C400] =	vst v63  }
0x155: {  	s4 =	simm.s32 $0x17C00  }
0x156: {  	[tilespmem:s4], [sflag:$0x2] =	stream.indirect_vreg.gather [hbm4b:s8+s3], $0x80, v5, vm0, $0xb8;
	[tilespmem:$0x1C400] =	vst v63  }
0x157: {  	s4 =	simm.s32 $0x18400  }
0x158: {  	[tilespmem:s4], [sflag:$0x2] =	stream.indirect_vreg.gather [hbm4b:s2+s3], $0x80, v4, vm0, $0xb8;
	[tilespmem:$0x1C400] =	vst v63  }
0x159: {  	s4 =	simm.s32 $0x18C00  }
0x15a: {  	[tilespmem:s4], [sflag:$0x2] =	stream.indirect_vreg.gather [hbm4b:s5+s3], $0x80, v4, vm0, $0xb8;
	[tilespmem:$0x1C400] =	vst v63  }
0x15b: {  	s4 =	simm.s32 $0x19400  }
0x15c: {  	[tilespmem:s4], [sflag:$0x2] =	stream.indirect_vreg.gather [hbm4b:s6+s3], $0x80, v4, vm0, $0xb8;
	[tilespmem:$0x1C400] =	vst v63  }
0x15d: {  	s4 =	simm.s32 $0x19C00  }
0x15e: {  	[tilespmem:s4], [sflag:$0x2] =	stream.indirect_vreg.gather [hbm4b:s8+s3], $0x80, v4, vm0, $0xb8;
	[tilespmem:$0x1C400] =	vst v63  }
0x15f: {  	v4 =	vld.msk [tilespmem:$0x2D8], $0xff;
	_ =	sdelay $0x4  }
0x160: {  	v5 =	vshll.u32 v4, $0x3  }
0x161: {  	v4 =	vand.u32 $0x7, v4;
	v5 =	vand.u32 $0xFFFFFFC0, v5  }
0x162: {  	v4 =	vor.u32 v4, v5  }
0x163: {  	v4 =	vperm.xlane v4, v1;
	_ =	sdelay $0x1  }
0x164: {  	v4 =	vadd.s32 v2, v4;
	_ =	sdelay $0x3  }
0x165: {  	s4 =	simm.s32 $0x1A400  }
0x166: {  	[tilespmem:s4], [sflag:$0x2] =	stream.indirect_vreg.gather [hbm4b:s2+s3], $0x80, v4, vm0, $0xb8;
	[tilespmem:$0x1C400] =	vst v63  }
0x167: {  	s4 =	simm.s32 $0x1AC00  }
0x168: {  	[tilespmem:s4], [sflag:$0x2] =	stream.indirect_vreg.gather [hbm4b:s5+s3], $0x80, v4, vm0, $0xb8;
	[tilespmem:$0x1C400] =	vst v63  }
0x169: {  	s4 =	simm.s32 $0x1B400  }
0x16a: {  	[tilespmem:s4], [sflag:$0x2] =	stream.indirect_vreg.gather [hbm4b:s6+s3], $0x80, v4, vm0, $0xb8;
	[tilespmem:$0x1C400] =	vst v63  }
0x16b: {  	s4 =	simm.s32 $0x1BC00  }
0x16c: {  	[tilespmem:s4], [sflag:$0x2] =	stream.indirect_vreg.gather [hbm4b:s8+s3], $0x80, v4, vm0, $0xb8;
	[tilespmem:$0x1C400] =	vst v63  }
0x16d: {  	_ =	swait.ge [sflag:s29], $0xE000  }
0x16e: {  	[sflag:s29] =	ssyncset.done $0x0  }
0x16f: {  	s4 =	rddreg [dreg:$0x7];
	[sflag:s29] =	ssyncadd.s32 $0xFFFF2000  }
0x170: {  	[hbm4b:s4+s3] =	stream.linear.scatter [tilespmem:s21], [sflag:$0x3], $0xE000, $0x38;
	[tilespmem:$0x1C400] =	vst v63  }
0x171: {  	_ =	swait.ge [sflag:s30], $0xE000  }
0x172: {  	[sflag:s30] =	ssyncset.done $0x0  }
0x173: {  	[sflag:s30] =	ssyncadd.s32 $0xFFFF2000  }
0x174: {  	v4 =	vld [tilespmem:$0x2E0];
	_ =	sdelay $0x4  }
0x175: {  	v5 =	vshll.u32 v4, $0x3  }
0x176: {  	v4 =	vand.u32 $0x7, v4;
	v5 =	vand.u32 $0xFFFFFFC0, v5  }
0x177: {  	v4 =	vor.u32 v4, v5  }
0x178: {  	v5 =	vperm.xlane v4, v1;
	_ =	sdelay $0x1  }
0x179: {  	v5 =	vadd.s32 v2, v5;
	_ =	sdelay $0x4  }
0x17a: {  	[tilespmem:s21], [sflag:$0x1] =	stream.indirect_vreg.gather [hbm4b:s2+s3], $0x80, v5, vm0, $0xb8;
	[tilespmem:$0x1C400] =	vst v63  }
0x17b: {  	s4 =	simm.s32 $0xC00;
	v4 =	vperm.xlane v4, v3  }
0x17c: {  	[tilespmem:s4], [sflag:$0x1] =	stream.indirect_vreg.gather [hbm4b:s5+s3], $0x80, v5, vm0, $0xb8;
	[tilespmem:$0x1C400] =	vst v63  }
0x17d: {  	s7 =	simm.s32 $0x1400;
	v4 =	vadd.s32 v2, v4  }
0x17e: {  	[tilespmem:s7], [sflag:$0x1] =	stream.indirect_vreg.gather [hbm4b:s6+s3], $0x80, v5, vm0, $0xb8;
	[tilespmem:$0x1C400] =	vst v63  }
0x17f: {  	s7 =	simm.s32 $0x1C00  }
0x180: {  	[tilespmem:s7], [sflag:$0x1] =	stream.indirect_vreg.gather [hbm4b:s8+s3], $0x80, v5, vm0, $0xb8;
	[tilespmem:$0x1C400] =	vst v63  }
0x181: {  	s7 =	simm.s32 $0x2400  }
0x182: {  	[tilespmem:s7], [sflag:$0x1] =	stream.indirect_vreg.gather [hbm4b:s2+s3], $0x80, v4, vm0, $0xb8;
	[tilespmem:$0x1C400] =	vst v63  }
0x183: {  	s7 =	simm.s32 $0x2C00  }
0x184: {  	[tilespmem:s7], [sflag:$0x1] =	stream.indirect_vreg.gather [hbm4b:s5+s3], $0x80, v4, vm0, $0xb8;
	[tilespmem:$0x1C400] =	vst v63  }
0x185: {  	s7 =	simm.s32 $0x3400  }
0x186: {  	[tilespmem:s7], [sflag:$0x1] =	stream.indirect_vreg.gather [hbm4b:s6+s3], $0x80, v4, vm0, $0xb8;
	[tilespmem:$0x1C400] =	vst v63  }
0x187: {  	s7 =	simm.s32 $0x3C00  }
0x188: {  	[tilespmem:s7], [sflag:$0x1] =	stream.indirect_vreg.gather [hbm4b:s8+s3], $0x80, v4, vm0, $0xb8;
	[tilespmem:$0x1C400] =	vst v63  }
0x189: {  	v4 =	vld [tilespmem:$0x2F0];
	_ =	sdelay $0x4  }
0x18a: {  	v5 =	vshll.u32 v4, $0x3  }
0x18b: {  	v4 =	vand.u32 $0x7, v4;
	v5 =	vand.u32 $0xFFFFFFC0, v5  }
0x18c: {  	v4 =	vor.u32 v4, v5  }
0x18d: {  	v5 =	vperm.xlane v4, v1;
	_ =	sdelay $0x1  }
0x18e: {  	v5 =	vadd.s32 v2, v5;
	_ =	sdelay $0x3  }
0x18f: {  	s7 =	simm.s32 $0x4400  }
0x190: {  	[tilespmem:s7], [sflag:$0x1] =	stream.indirect_vreg.gather [hbm4b:s2+s3], $0x80, v5, vm0, $0xb8;
	[tilespmem:$0x1C400] =	vst v63  }
0x191: {  	v4 =	vperm.xlane v4, v3;
	s7 =	simm.s32 $0x4C00  }
0x192: {  	[tilespmem:s7], [sflag:$0x1] =	stream.indirect_vreg.gather [hbm4b:s5+s3], $0x80, v5, vm0, $0xb8;
	[tilespmem:$0x1C400] =	vst v63  }
0x193: {  	s9 =	simm.s32 $0x5400;
	v4 =	vadd.s32 v2, v4  }
0x194: {  	[tilespmem:s9], [sflag:$0x1] =	stream.indirect_vreg.gather [hbm4b:s6+s3], $0x80, v5, vm0, $0xb8;
	[tilespmem:$0x1C400] =	vst v63  }
0x195: {  	s10 =	simm.s32 $0x5C00  }
0x196: {  	[tilespmem:s10], [sflag:$0x1] =	stream.indirect_vreg.gather [hbm4b:s8+s3], $0x80, v5, vm0, $0xb8;
	[tilespmem:$0x1C400] =	vst v63  }
0x197: {  	s11 =	simm.s32 $0x6400  }
0x198: {  	[tilespmem:s11], [sflag:$0x1] =	stream.indirect_vreg.gather [hbm4b:s2+s3], $0x80, v4, vm0, $0xb8;
	[tilespmem:$0x1C400] =	vst v63  }
0x199: {  	s7 =	simm.s32 $0x6C00  }
0x19a: {  	[tilespmem:s7], [sflag:$0x1] =	stream.indirect_vreg.gather [hbm4b:s5+s3], $0x80, v4, vm0, $0xb8;
	[tilespmem:$0x1C400] =	vst v63  }
0x19b: {  	s17 =	simm.s32 $0x7400  }
0x19c: {  	[tilespmem:s17], [sflag:$0x1] =	stream.indirect_vreg.gather [hbm4b:s6+s3], $0x80, v4, vm0, $0xb8;
	[tilespmem:$0x1C400] =	vst v63  }
0x19d: {  	s9 =	simm.s32 $0x7C00  }
0x19e: {  	[tilespmem:s9], [sflag:$0x1] =	stream.indirect_vreg.gather [hbm4b:s8+s3], $0x80, v4, vm0, $0xb8;
	[tilespmem:$0x1C400] =	vst v63  }
0x19f: {  	v4 =	vld [tilespmem:$0x300];
	_ =	sdelay $0x4  }
0x1a0: {  	v5 =	vshll.u32 v4, $0x3  }
0x1a1: {  	v4 =	vand.u32 $0x7, v4;
	v5 =	vand.u32 $0xFFFFFFC0, v5  }
0x1a2: {  	v4 =	vor.u32 v4, v5  }
0x1a3: {  	v5 =	vperm.xlane v4, v1;
	_ =	sdelay $0x1  }
0x1a4: {  	v5 =	vadd.s32 v2, v5;
	_ =	sdelay $0x3  }
0x1a5: {  	s10 =	simm.s32 $0x8400  }
0x1a6: {  	[tilespmem:s10], [sflag:$0x1] =	stream.indirect_vreg.gather [hbm4b:s2+s3], $0x80, v5, vm0, $0xb8;
	[tilespmem:$0x1C400] =	vst v63  }
0x1a7: {  	s11 =	simm.s32 $0x8C00;
	v4 =	vperm.xlane v4, v3  }
0x1a8: {  	[tilespmem:s11], [sflag:$0x1] =	stream.indirect_vreg.gather [hbm4b:s5+s3], $0x80, v5, vm0, $0xb8;
	[tilespmem:$0x1C400] =	vst v63  }
0x1a9: {  	s12 =	simm.s32 $0x9400;
	v4 =	vadd.s32 v2, v4  }
0x1aa: {  	[tilespmem:s12], [sflag:$0x1] =	stream.indirect_vreg.gather [hbm4b:s6+s3], $0x80, v5, vm0, $0xb8;
	[tilespmem:$0x1C400] =	vst v63  }
0x1ab: {  	s13 =	simm.s32 $0x9C00  }
0x1ac: {  	[tilespmem:s13], [sflag:$0x1] =	stream.indirect_vreg.gather [hbm4b:s8+s3], $0x80, v5, vm0, $0xb8;
	[tilespmem:$0x1C400] =	vst v63  }
0x1ad: {  	s14 =	simm.s32 $0xA400  }
0x1ae: {  	[tilespmem:s14], [sflag:$0x1] =	stream.indirect_vreg.gather [hbm4b:s2+s3], $0x80, v4, vm0, $0xb8;
	[tilespmem:$0x1C400] =	vst v63  }
0x1af: {  	s18 =	simm.s32 $0xAC00  }
0x1b0: {  	[tilespmem:s18], [sflag:$0x1] =	stream.indirect_vreg.gather [hbm4b:s5+s3], $0x80, v4, vm0, $0xb8;
	[tilespmem:$0x1C400] =	vst v63  }
0x1b1: {  	s19 =	simm.s32 $0xB400  }
0x1b2: {  	[tilespmem:s19], [sflag:$0x1] =	stream.indirect_vreg.gather [hbm4b:s6+s3], $0x80, v4, vm0, $0xb8;
	[tilespmem:$0x1C400] =	vst v63  }
0x1b3: {  	s23 =	simm.s32 $0xBC00  }
0x1b4: {  	[tilespmem:s23], [sflag:$0x1] =	stream.indirect_vreg.gather [hbm4b:s8+s3], $0x80, v4, vm0, $0xb8;
	[tilespmem:$0x1C400] =	vst v63  }
0x1b5: {  	v4 =	vld.msk [tilespmem:$0x310], $0xff;
	_ =	sdelay $0x4  }
0x1b6: {  	v5 =	vshll.u32 v4, $0x3  }
0x1b7: {  	v4 =	vand.u32 $0x7, v4;
	v5 =	vand.u32 $0xFFFFFFC0, v5  }
0x1b8: {  	v4 =	vor.u32 v4, v5  }
0x1b9: {  	v4 =	vperm.xlane v4, v1;
	_ =	sdelay $0x1  }
0x1ba: {  	v4 =	vadd.s32 v2, v4;
	_ =	sdelay $0x3  }
0x1bb: {  	s15 =	simm.s32 $0xC400  }
0x1bc: {  	[tilespmem:s15], [sflag:$0x1] =	stream.indirect_vreg.gather [hbm4b:s2+s3], $0x80, v4, vm0, $0xb8;
	[tilespmem:$0x1C400] =	vst v63  }
0x1bd: {  	s20 =	simm.s32 $0xCC00  }
0x1be: {  	[tilespmem:s20], [sflag:$0x1] =	stream.indirect_vreg.gather [hbm4b:s5+s3], $0x80, v4, vm0, $0xb8;
	[tilespmem:$0x1C400] =	vst v63  }
0x1bf: {  	s22 =	simm.s32 $0xD400  }
0x1c0: {  	[tilespmem:s22], [sflag:$0x1] =	stream.indirect_vreg.gather [hbm4b:s6+s3], $0x80, v4, vm0, $0xb8;
	[tilespmem:$0x1C400] =	vst v63  }
0x1c1: {  	s16 =	simm.s32 $0xDC00  }
0x1c2: {  	[tilespmem:s16], [sflag:$0x1] =	stream.indirect_vreg.gather [hbm4b:s8+s3], $0x80, v4, vm0, $0xb8;
	[tilespmem:$0x1C400] =	vst v63  }
0x1c3: {  	_ =	swait.ge [sflag:s31], $0xE000  }
0x1c4: {  	[sflag:s31] =	ssyncset.done $0x0  }
0x1c5: {  	s14 =	rddreg [dreg:$0x8];
	[sflag:s31] =	ssyncadd.s32 $0xFFFF2000  }
0x1c6: {  	[hbm4b:s14+s3] =	stream.linear.scatter [tilespmem:s24], [sflag:$0x4], $0xE000, $0x38;
	[tilespmem:$0x1C400] =	vst v63  }
0x1c7: {  	_ =	swait.ge [sflag:s0], $0xE000  }
0x1c8: {  	[sflag:s0] =	ssyncset.done $0x0  }
0x1c9: {  	[sflag:s0] =	ssyncadd.s32 $0xFFFF2000  }
0x1ca: {  	v4 =	vld [tilespmem:$0x318];
	_ =	sdelay $0x4  }
0x1cb: {  	v5 =	vshll.u32 v4, $0x3  }
0x1cc: {  	v4 =	vand.u32 $0x7, v4;
	v5 =	vand.u32 $0xFFFFFFC0, v5  }
0x1cd: {  	v4 =	vor.u32 v4, v5  }
0x1ce: {  	v5 =	vperm.xlane v4, v1;
	_ =	sdelay $0x1  }
0x1cf: {  	v5 =	vadd.s32 v2, v5;
	_ =	sdelay $0x4  }
0x1d0: {  	[tilespmem:s24], [sflag:$0x2] =	stream.indirect_vreg.gather [hbm4b:s2+s3], $0x80, v5, vm0, $0xb8;
	[tilespmem:$0x1C400] =	vst v63  }
0x1d1: {  	s25 =	simm.s32 $0xEC00;
	v4 =	vperm.xlane v4, v3  }
0x1d2: {  	[tilespmem:s25], [sflag:$0x2] =	stream.indirect_vreg.gather [hbm4b:s5+s3], $0x80, v5, vm0, $0xb8;
	[tilespmem:$0x1C400] =	vst v63  }
0x1d3: {  	s26 =	simm.s32 $0xF400;
	v4 =	vadd.s32 v2, v4  }
0x1d4: {  	[tilespmem:s26], [sflag:$0x2] =	stream.indirect_vreg.gather [hbm4b:s6+s3], $0x80, v5, vm0, $0xb8;
	[tilespmem:$0x1C400] =	vst v63  }
0x1d5: {  	s28 =	simm.s32 $0xFC00  }
0x1d6: {  	[tilespmem:s28], [sflag:$0x2] =	stream.indirect_vreg.gather [hbm4b:s8+s3], $0x80, v5, vm0, $0xb8;
	[tilespmem:$0x1C400] =	vst v63  }
0x1d7: {  	s15 =	simm.s32 $0x10400  }
0x1d8: {  	[tilespmem:s15], [sflag:$0x2] =	stream.indirect_vreg.gather [hbm4b:s2+s3], $0x80, v4, vm0, $0xb8;
	[tilespmem:$0x1C400] =	vst v63  }
0x1d9: {  	s16 =	simm.s32 $0x10C00  }
0x1da: {  	[tilespmem:s16], [sflag:$0x2] =	stream.indirect_vreg.gather [hbm4b:s5+s3], $0x80, v4, vm0, $0xb8;
	[tilespmem:$0x1C400] =	vst v63  }
0x1db: {  	s17 =	simm.s32 $0x11400  }
0x1dc: {  	[tilespmem:s17], [sflag:$0x2] =	stream.indirect_vreg.gather [hbm4b:s6+s3], $0x80, v4, vm0, $0xb8;
	[tilespmem:$0x1C400] =	vst v63  }
0x1dd: {  	s18 =	simm.s32 $0x11C00  }
0x1de: {  	[tilespmem:s18], [sflag:$0x2] =	stream.indirect_vreg.gather [hbm4b:s8+s3], $0x80, v4, vm0, $0xb8;
	[tilespmem:$0x1C400] =	vst v63  }
0x1df: {  	v4 =	vld [tilespmem:$0x328];
	_ =	sdelay $0x4  }
0x1e0: {  	v5 =	vshll.u32 v4, $0x3  }
0x1e1: {  	v4 =	vand.u32 $0x7, v4;
	v5 =	vand.u32 $0xFFFFFFC0, v5  }
0x1e2: {  	v4 =	vor.u32 v4, v5  }
0x1e3: {  	v5 =	vperm.xlane v4, v1;
	_ =	sdelay $0x1  }
0x1e4: {  	v5 =	vadd.s32 v2, v5;
	_ =	sdelay $0x3  }
0x1e5: {  	s19 =	simm.s32 $0x12400  }
0x1e6: {  	[tilespmem:s19], [sflag:$0x2] =	stream.indirect_vreg.gather [hbm4b:s2+s3], $0x80, v5, vm0, $0xb8;
	[tilespmem:$0x1C400] =	vst v63  }
0x1e7: {  	s20 =	simm.s32 $0x12C00;
	v4 =	vperm.xlane v4, v3  }
0x1e8: {  	[tilespmem:s20], [sflag:$0x2] =	stream.indirect_vreg.gather [hbm4b:s5+s3], $0x80, v5, vm0, $0xb8;
	[tilespmem:$0x1C400] =	vst v63  }
0x1e9: {  	s22 =	simm.s32 $0x13400;
	v4 =	vadd.s32 v2, v4  }
0x1ea: {  	[tilespmem:s22], [sflag:$0x2] =	stream.indirect_vreg.gather [hbm4b:s6+s3], $0x80, v5, vm0, $0xb8;
	[tilespmem:$0x1C400] =	vst v63  }
0x1eb: {  	s23 =	simm.s32 $0x13C00  }
0x1ec: {  	[tilespmem:s23], [sflag:$0x2] =	stream.indirect_vreg.gather [hbm4b:s8+s3], $0x80, v5, vm0, $0xb8;
	[tilespmem:$0x1C400] =	vst v63  }
0x1ed: {  	s25 =	simm.s32 $0x14400  }
0x1ee: {  	[tilespmem:s25], [sflag:$0x2] =	stream.indirect_vreg.gather [hbm4b:s2+s3], $0x80, v4, vm0, $0xb8;
	[tilespmem:$0x1C400] =	vst v63  }
0x1ef: {  	s7 =	simm.s32 $0x14C00  }
0x1f0: {  	[tilespmem:s7], [sflag:$0x2] =	stream.indirect_vreg.gather [hbm4b:s5+s3], $0x80, v4, vm0, $0xb8;
	[tilespmem:$0x1C400] =	vst v63  }
0x1f1: {  	s9 =	simm.s32 $0x15400  }
0x1f2: {  	[tilespmem:s9], [sflag:$0x2] =	stream.indirect_vreg.gather [hbm4b:s6+s3], $0x80, v4, vm0, $0xb8;
	[tilespmem:$0x1C400] =	vst v63  }
0x1f3: {  	s10 =	simm.s32 $0x15C00  }
0x1f4: {  	[tilespmem:s10], [sflag:$0x2] =	stream.indirect_vreg.gather [hbm4b:s8+s3], $0x80, v4, vm0, $0xb8;
	[tilespmem:$0x1C400] =	vst v63  }
0x1f5: {  	v4 =	vld [tilespmem:$0x338];
	_ =	sdelay $0x4  }
0x1f6: {  	v5 =	vshll.u32 v4, $0x3  }
0x1f7: {  	v4 =	vand.u32 $0x7, v4;
	v5 =	vand.u32 $0xFFFFFFC0, v5  }
0x1f8: {  	v4 =	vor.u32 v4, v5  }
0x1f9: {  	v5 =	vperm.xlane v4, v1;
	_ =	sdelay $0x1  }
0x1fa: {  	v5 =	vadd.s32 v2, v5;
	_ =	sdelay $0x3  }
0x1fb: {  	s14 =	simm.s32 $0x16400  }
0x1fc: {  	[tilespmem:s14], [sflag:$0x2] =	stream.indirect_vreg.gather [hbm4b:s2+s3], $0x80, v5, vm0, $0xb8;
	[tilespmem:$0x1C400] =	vst v63  }
0x1fd: {  	s15 =	simm.s32 $0x16C00;
	v4 =	vperm.xlane v4, v3  }
0x1fe: {  	[tilespmem:s15], [sflag:$0x2] =	stream.indirect_vreg.gather [hbm4b:s5+s3], $0x80, v5, vm0, $0xb8;
	[tilespmem:$0x1C400] =	vst v63  }
0x1ff: {  	s16 =	simm.s32 $0x17400;
	v4 =	vadd.s32 v2, v4  }
0x200: {  	[tilespmem:s16], [sflag:$0x2] =	stream.indirect_vreg.gather [hbm4b:s6+s3], $0x80, v5, vm0, $0xb8;
	[tilespmem:$0x1C400] =	vst v63  }
0x201: {  	s17 =	simm.s32 $0x17C00  }
0x202: {  	[tilespmem:s17], [sflag:$0x2] =	stream.indirect_vreg.gather [hbm4b:s8+s3], $0x80, v5, vm0, $0xb8;
	[tilespmem:$0x1C400] =	vst v63  }
0x203: {  	s18 =	simm.s32 $0x18400  }
0x204: {  	[tilespmem:s18], [sflag:$0x2] =	stream.indirect_vreg.gather [hbm4b:s2+s3], $0x80, v4, vm0, $0xb8;
	[tilespmem:$0x1C400] =	vst v63  }
0x205: {  	s19 =	simm.s32 $0x18C00  }
0x206: {  	[tilespmem:s19], [sflag:$0x2] =	stream.indirect_vreg.gather [hbm4b:s5+s3], $0x80, v4, vm0, $0xb8;
	[tilespmem:$0x1C400] =	vst v63  }
0x207: {  	s20 =	simm.s32 $0x19400  }
0x208: {  	[tilespmem:s20], [sflag:$0x2] =	stream.indirect_vreg.gather [hbm4b:s6+s3], $0x80, v4, vm0, $0xb8;
	[tilespmem:$0x1C400] =	vst v63  }
0x209: {  	s22 =	simm.s32 $0x19C00  }
0x20a: {  	[tilespmem:s22], [sflag:$0x2] =	stream.indirect_vreg.gather [hbm4b:s8+s3], $0x80, v4, vm0, $0xb8;
	[tilespmem:$0x1C400] =	vst v63  }
0x20b: {  	v4 =	vld.msk [tilespmem:$0x348], $0xff;
	_ =	sdelay $0x4  }
0x20c: {  	v5 =	vshll.u32 v4, $0x3  }
0x20d: {  	v4 =	vand.u32 $0x7, v4;
	v5 =	vand.u32 $0xFFFFFFC0, v5  }
0x20e: {  	v4 =	vor.u32 v4, v5  }
0x20f: {  	v4 =	vperm.xlane v4, v1;
	_ =	sdelay $0x1  }
0x210: {  	v4 =	vadd.s32 v2, v4;
	_ =	sdelay $0x3  }
0x211: {  	s23 =	simm.s32 $0x1A400  }
0x212: {  	[tilespmem:s23], [sflag:$0x2] =	stream.indirect_vreg.gather [hbm4b:s2+s3], $0x80, v4, vm0, $0xb8;
	[tilespmem:$0x1C400] =	vst v63  }
0x213: {  	s25 =	simm.s32 $0x1AC00  }
0x214: {  	[tilespmem:s25], [sflag:$0x2] =	stream.indirect_vreg.gather [hbm4b:s5+s3], $0x80, v4, vm0, $0xb8;
	[tilespmem:$0x1C400] =	vst v63  }
0x215: {  	s7 =	simm.s32 $0x1B400  }
0x216: {  	[tilespmem:s7], [sflag:$0x2] =	stream.indirect_vreg.gather [hbm4b:s6+s3], $0x80, v4, vm0, $0xb8;
	[tilespmem:$0x1C400] =	vst v63  }
0x217: {  	s9 =	simm.s32 $0x1BC00  }
0x218: {  	[tilespmem:s9], [sflag:$0x2] =	stream.indirect_vreg.gather [hbm4b:s8+s3], $0x80, v4, vm0, $0xb8;
	[tilespmem:$0x1C400] =	vst v63  }
0x219: {  	_ =	swait.ge [sflag:s29], $0xE000  }
0x21a: {  	[sflag:s29] =	ssyncset.done $0x0  }
0x21b: {  	s10 =	rddreg [dreg:$0x9];
	[sflag:s29] =	ssyncadd.s32 $0xFFFF2000  }
0x21c: {  	[hbm4b:s10+s3] =	stream.linear.scatter [tilespmem:s21], [sflag:$0x3], $0xE000, $0x38;
	[tilespmem:$0x1C400] =	vst v63  }
0x21d: {  	_ =	swait.ge [sflag:s30], $0xE000  }
0x21e: {  	[sflag:s30] =	ssyncset.done $0x0  }
0x21f: {  	[sflag:s30] =	ssyncadd.s32 $0xFFFF2000  }
0x220: {  	v4 =	vld [tilespmem:$0x350];
	_ =	sdelay $0x4  }
0x221: {  	v5 =	vshll.u32 v4, $0x3  }
0x222: {  	v4 =	vand.u32 $0x7, v4;
	v5 =	vand.u32 $0xFFFFFFC0, v5  }
0x223: {  	v4 =	vor.u32 v4, v5  }
0x224: {  	v5 =	vperm.xlane v4, v1;
	_ =	sdelay $0x1  }
0x225: {  	v5 =	vadd.s32 v2, v5;
	_ =	sdelay $0x4  }
0x226: {  	[tilespmem:s21], [sflag:$0x1] =	stream.indirect_vreg.gather [hbm4b:s2+s3], $0x80, v5, vm0, $0xb8;
	[tilespmem:$0x1C400] =	vst v63  }
0x227: {  	s23 =	simm.s32 $0xC00;
	v4 =	vperm.xlane v4, v3  }
0x228: {  	[tilespmem:s23], [sflag:$0x1] =	stream.indirect_vreg.gather [hbm4b:s5+s3], $0x80, v5, vm0, $0xb8;
	[tilespmem:$0x1C400] =	vst v63  }
0x229: {  	s25 =	simm.s32 $0x1400;
	v4 =	vadd.s32 v2, v4  }
0x22a: {  	[tilespmem:s25], [sflag:$0x1] =	stream.indirect_vreg.gather [hbm4b:s6+s3], $0x80, v5, vm0, $0xb8;
	[tilespmem:$0x1C400] =	vst v63  }
0x22b: {  	s7 =	simm.s32 $0x1C00  }
0x22c: {  	[tilespmem:s7], [sflag:$0x1] =	stream.indirect_vreg.gather [hbm4b:s8+s3], $0x80, v5, vm0, $0xb8;
	[tilespmem:$0x1C400] =	vst v63  }
0x22d: {  	s9 =	simm.s32 $0x2400  }
0x22e: {  	[tilespmem:s9], [sflag:$0x1] =	stream.indirect_vreg.gather [hbm4b:s2+s3], $0x80, v4, vm0, $0xb8;
	[tilespmem:$0x1C400] =	vst v63  }
0x22f: {  	s10 =	simm.s32 $0x2C00  }
0x230: {  	[tilespmem:s10], [sflag:$0x1] =	stream.indirect_vreg.gather [hbm4b:s5+s3], $0x80, v4, vm0, $0xb8;
	[tilespmem:$0x1C400] =	vst v63  }
0x231: {  	s7 =	simm.s32 $0x3400  }
0x232: {  	[tilespmem:s7], [sflag:$0x1] =	stream.indirect_vreg.gather [hbm4b:s6+s3], $0x80, v4, vm0, $0xb8;
	[tilespmem:$0x1C400] =	vst v63  }
0x233: {  	s9 =	simm.s32 $0x3C00  }
0x234: {  	[tilespmem:s9], [sflag:$0x1] =	stream.indirect_vreg.gather [hbm4b:s8+s3], $0x80, v4, vm0, $0xb8;
	[tilespmem:$0x1C400] =	vst v63  }
0x235: {  	v4 =	vld [tilespmem:$0x360];
	_ =	sdelay $0x4  }
0x236: {  	v5 =	vshll.u32 v4, $0x3  }
0x237: {  	v4 =	vand.u32 $0x7, v4;
	v5 =	vand.u32 $0xFFFFFFC0, v5  }
0x238: {  	v4 =	vor.u32 v4, v5  }
0x239: {  	v5 =	vperm.xlane v4, v1;
	_ =	sdelay $0x1  }
0x23a: {  	v5 =	vadd.s32 v2, v5;
	_ =	sdelay $0x3  }
0x23b: {  	s10 =	simm.s32 $0x4400  }
0x23c: {  	[tilespmem:s10], [sflag:$0x1] =	stream.indirect_vreg.gather [hbm4b:s2+s3], $0x80, v5, vm0, $0xb8;
	[tilespmem:$0x1C400] =	vst v63  }
0x23d: {  	s7 =	simm.s32 $0x4C00;
	v4 =	vperm.xlane v4, v3  }
0x23e: {  	[tilespmem:s7], [sflag:$0x1] =	stream.indirect_vreg.gather [hbm4b:s5+s3], $0x80, v5, vm0, $0xb8;
	[tilespmem:$0x1C400] =	vst v63  }
0x23f: {  	s9 =	simm.s32 $0x5400;
	v4 =	vadd.s32 v2, v4  }
0x240: {  	[tilespmem:s9], [sflag:$0x1] =	stream.indirect_vreg.gather [hbm4b:s6+s3], $0x80, v5, vm0, $0xb8;
	[tilespmem:$0x1C400] =	vst v63  }
0x241: {  	s10 =	simm.s32 $0x5C00  }
0x242: {  	[tilespmem:s10], [sflag:$0x1] =	stream.indirect_vreg.gather [hbm4b:s8+s3], $0x80, v5, vm0, $0xb8;
	[tilespmem:$0x1C400] =	vst v63  }
0x243: {  	s7 =	simm.s32 $0x6400  }
0x244: {  	[tilespmem:s7], [sflag:$0x1] =	stream.indirect_vreg.gather [hbm4b:s2+s3], $0x80, v4, vm0, $0xb8;
	[tilespmem:$0x1C400] =	vst v63  }
0x245: {  	s9 =	simm.s32 $0x6C00  }
0x246: {  	[tilespmem:s9], [sflag:$0x1] =	stream.indirect_vreg.gather [hbm4b:s5+s3], $0x80, v4, vm0, $0xb8;
	[tilespmem:$0x1C400] =	vst v63  }
0x247: {  	s10 =	simm.s32 $0x7400  }
0x248: {  	[tilespmem:s10], [sflag:$0x1] =	stream.indirect_vreg.gather [hbm4b:s6+s3], $0x80, v4, vm0, $0xb8;
	[tilespmem:$0x1C400] =	vst v63  }
0x249: {  	s7 =	simm.s32 $0x7C00  }
0x24a: {  	[tilespmem:s7], [sflag:$0x1] =	stream.indirect_vreg.gather [hbm4b:s8+s3], $0x80, v4, vm0, $0xb8;
	[tilespmem:$0x1C400] =	vst v63  }
0x24b: {  	v4 =	vld [tilespmem:$0x370];
	_ =	sdelay $0x4  }
0x24c: {  	v5 =	vshll.u32 v4, $0x3  }
0x24d: {  	v4 =	vand.u32 $0x7, v4;
	v5 =	vand.u32 $0xFFFFFFC0, v5  }
0x24e: {  	v4 =	vor.u32 v4, v5  }
0x24f: {  	v5 =	vperm.xlane v4, v1;
	_ =	sdelay $0x1  }
0x250: {  	v5 =	vadd.s32 v2, v5;
	_ =	sdelay $0x3  }
0x251: {  	s9 =	simm.s32 $0x8400  }
0x252: {  	[tilespmem:s9], [sflag:$0x1] =	stream.indirect_vreg.gather [hbm4b:s2+s3], $0x80, v5, vm0, $0xb8;
	[tilespmem:$0x1C400] =	vst v63  }
0x253: {  	s10 =	simm.s32 $0x8C00;
	v4 =	vperm.xlane v4, v3  }
0x254: {  	[tilespmem:s10], [sflag:$0x1] =	stream.indirect_vreg.gather [hbm4b:s5+s3], $0x80, v5, vm0, $0xb8;
	[tilespmem:$0x1C400] =	vst v63  }
0x255: {  	s7 =	simm.s32 $0x9400;
	v4 =	vadd.s32 v2, v4  }
0x256: {  	[tilespmem:s7], [sflag:$0x1] =	stream.indirect_vreg.gather [hbm4b:s6+s3], $0x80, v5, vm0, $0xb8;
	[tilespmem:$0x1C400] =	vst v63  }
0x257: {  	s9 =	simm.s32 $0x9C00  }
0x258: {  	[tilespmem:s9], [sflag:$0x1] =	stream.indirect_vreg.gather [hbm4b:s8+s3], $0x80, v5, vm0, $0xb8;
	[tilespmem:$0x1C400] =	vst v63  }
0x259: {  	s10 =	simm.s32 $0xA400  }
0x25a: {  	[tilespmem:s10], [sflag:$0x1] =	stream.indirect_vreg.gather [hbm4b:s2+s3], $0x80, v4, vm0, $0xb8;
	[tilespmem:$0x1C400] =	vst v63  }
0x25b: {  	s7 =	simm.s32 $0xAC00  }
0x25c: {  	[tilespmem:s7], [sflag:$0x1] =	stream.indirect_vreg.gather [hbm4b:s5+s3], $0x80, v4, vm0, $0xb8;
	[tilespmem:$0x1C400] =	vst v63  }
0x25d: {  	s9 =	simm.s32 $0xB400  }
0x25e: {  	[tilespmem:s9], [sflag:$0x1] =	stream.indirect_vreg.gather [hbm4b:s6+s3], $0x80, v4, vm0, $0xb8;
	[tilespmem:$0x1C400] =	vst v63  }
0x25f: {  	s10 =	simm.s32 $0xBC00  }
0x260: {  	[tilespmem:s10], [sflag:$0x1] =	stream.indirect_vreg.gather [hbm4b:s8+s3], $0x80, v4, vm0, $0xb8;
	[tilespmem:$0x1C400] =	vst v63  }
0x261: {  	v4 =	vld.msk [tilespmem:$0x380], $0xff;
	_ =	sdelay $0x4  }
0x262: {  	v5 =	vshll.u32 v4, $0x3  }
0x263: {  	v4 =	vand.u32 $0x7, v4;
	v5 =	vand.u32 $0xFFFFFFC0, v5  }
0x264: {  	v4 =	vor.u32 v4, v5  }
0x265: {  	v4 =	vperm.xlane v4, v1;
	_ =	sdelay $0x1  }
0x266: {  	v4 =	vadd.s32 v2, v4;
	_ =	sdelay $0x3  }
0x267: {  	s7 =	simm.s32 $0xC400  }
0x268: {  	[tilespmem:s7], [sflag:$0x1] =	stream.indirect_vreg.gather [hbm4b:s2+s3], $0x80, v4, vm0, $0xb8;
	[tilespmem:$0x1C400] =	vst v63  }
0x269: {  	s9 =	simm.s32 $0xCC00  }
0x26a: {  	[tilespmem:s9], [sflag:$0x1] =	stream.indirect_vreg.gather [hbm4b:s5+s3], $0x80, v4, vm0, $0xb8;
	[tilespmem:$0x1C400] =	vst v63  }
0x26b: {  	s10 =	simm.s32 $0xD400  }
0x26c: {  	[tilespmem:s10], [sflag:$0x1] =	stream.indirect_vreg.gather [hbm4b:s6+s3], $0x80, v4, vm0, $0xb8;
	[tilespmem:$0x1C400] =	vst v63  }
0x26d: {  	s7 =	simm.s32 $0xDC00  }
0x26e: {  	[tilespmem:s7], [sflag:$0x1] =	stream.indirect_vreg.gather [hbm4b:s8+s3], $0x80, v4, vm0, $0xb8;
	[tilespmem:$0x1C400] =	vst v63  }
0x26f: {  	_ =	swait.ge [sflag:s31], $0xE000  }
0x270: {  	[sflag:s31] =	ssyncset.done $0x0  }
0x271: {  	s9 =	rddreg [dreg:$0xa];
	[sflag:s31] =	ssyncadd.s32 $0xFFFF2000  }
0x272: {  	[hbm4b:s9+s3] =	stream.linear.scatter [tilespmem:s24], [sflag:$0x4], $0xE000, $0x38;
	[tilespmem:$0x1C400] =	vst v63  }
0x273: {  	_ =	swait.ge [sflag:s0], $0xE000  }
0x274: {  	[sflag:s0] =	ssyncset.done $0x0  }
0x275: {  	[sflag:s0] =	ssyncadd.s32 $0xFFFF2000  }
0x276: {  	v4 =	vld [tilespmem:$0x388];
	_ =	sdelay $0x4  }
0x277: {  	v5 =	vshll.u32 v4, $0x3  }
0x278: {  	v4 =	vand.u32 $0x7, v4;
	v5 =	vand.u32 $0xFFFFFFC0, v5  }
0x279: {  	v4 =	vor.u32 v4, v5  }
0x27a: {  	v5 =	vperm.xlane v4, v1;
	_ =	sdelay $0x1  }
0x27b: {  	v5 =	vadd.s32 v2, v5;
	_ =	sdelay $0x4  }
0x27c: {  	[tilespmem:s24], [sflag:$0x2] =	stream.indirect_vreg.gather [hbm4b:s2+s3], $0x80, v5, vm0, $0xb8;
	[tilespmem:$0x1C400] =	vst v63  }
0x27d: {  	s10 =	simm.s32 $0xEC00;
	v4 =	vperm.xlane v4, v3  }
0x27e: {  	[tilespmem:s10], [sflag:$0x2] =	stream.indirect_vreg.gather [hbm4b:s5+s3], $0x80, v5, vm0, $0xb8;
	[tilespmem:$0x1C400] =	vst v63  }
0x27f: {  	s7 =	simm.s32 $0xF400;
	v4 =	vadd.s32 v2, v4  }
0x280: {  	[tilespmem:s7], [sflag:$0x2] =	stream.indirect_vreg.gather [hbm4b:s6+s3], $0x80, v5, vm0, $0xb8;
	[tilespmem:$0x1C400] =	vst v63  }
0x281: {  	s9 =	simm.s32 $0xFC00  }
0x282: {  	[tilespmem:s9], [sflag:$0x2] =	stream.indirect_vreg.gather [hbm4b:s8+s3], $0x80, v5, vm0, $0xb8;
	[tilespmem:$0x1C400] =	vst v63  }
0x283: {  	s26 =	simm.s32 $0x10400  }
0x284: {  	[tilespmem:s26], [sflag:$0x2] =	stream.indirect_vreg.gather [hbm4b:s2+s3], $0x80, v4, vm0, $0xb8;
	[tilespmem:$0x1C400] =	vst v63  }
0x285: {  	s28 =	simm.s32 $0x10C00  }
0x286: {  	[tilespmem:s28], [sflag:$0x2] =	stream.indirect_vreg.gather [hbm4b:s5+s3], $0x80, v4, vm0, $0xb8;
	[tilespmem:$0x1C400] =	vst v63  }
0x287: {  	s26 =	simm.s32 $0x11400  }
0x288: {  	[tilespmem:s26], [sflag:$0x2] =	stream.indirect_vreg.gather [hbm4b:s6+s3], $0x80, v4, vm0, $0xb8;
	[tilespmem:$0x1C400] =	vst v63  }
0x289: {  	s28 =	simm.s32 $0x11C00  }
0x28a: {  	[tilespmem:s28], [sflag:$0x2] =	stream.indirect_vreg.gather [hbm4b:s8+s3], $0x80, v4, vm0, $0xb8;
	[tilespmem:$0x1C400] =	vst v63  }
0x28b: {  	v4 =	vld [tilespmem:$0x398];
	_ =	sdelay $0x4  }
0x28c: {  	v5 =	vshll.u32 v4, $0x3  }
0x28d: {  	v4 =	vand.u32 $0x7, v4;
	v5 =	vand.u32 $0xFFFFFFC0, v5  }
0x28e: {  	v4 =	vor.u32 v4, v5  }
0x28f: {  	v5 =	vperm.xlane v4, v1;
	_ =	sdelay $0x1  }
0x290: {  	v5 =	vadd.s32 v2, v5;
	_ =	sdelay $0x3  }
0x291: {  	s26 =	simm.s32 $0x12400  }
0x292: {  	[tilespmem:s26], [sflag:$0x2] =	stream.indirect_vreg.gather [hbm4b:s2+s3], $0x80, v5, vm0, $0xb8;
	[tilespmem:$0x1C400] =	vst v63  }
0x293: {  	s28 =	simm.s32 $0x12C00;
	v4 =	vperm.xlane v4, v3  }
0x294: {  	[tilespmem:s28], [sflag:$0x2] =	stream.indirect_vreg.gather [hbm4b:s5+s3], $0x80, v5, vm0, $0xb8;
	[tilespmem:$0x1C400] =	vst v63  }
0x295: {  	v4 =	vadd.s32 v2, v4;
	s26 =	simm.s32 $0x13400  }
0x296: {  	[tilespmem:s26], [sflag:$0x2] =	stream.indirect_vreg.gather [hbm4b:s6+s3], $0x80, v5, vm0, $0xb8;
	[tilespmem:$0x1C400] =	vst v63  }
0x297: {  	s28 =	simm.s32 $0x13C00  }
0x298: {  	[tilespmem:s28], [sflag:$0x2] =	stream.indirect_vreg.gather [hbm4b:s8+s3], $0x80, v5, vm0, $0xb8;
	[tilespmem:$0x1C400] =	vst v63  }
0x299: {  	s11 =	simm.s32 $0x14400  }
0x29a: {  	[tilespmem:s11], [sflag:$0x2] =	stream.indirect_vreg.gather [hbm4b:s2+s3], $0x80, v4, vm0, $0xb8;
	[tilespmem:$0x1C400] =	vst v63  }
0x29b: {  	s12 =	simm.s32 $0x14C00  }
0x29c: {  	[tilespmem:s12], [sflag:$0x2] =	stream.indirect_vreg.gather [hbm4b:s5+s3], $0x80, v4, vm0, $0xb8;
	[tilespmem:$0x1C400] =	vst v63  }
0x29d: {  	s13 =	simm.s32 $0x15400  }
0x29e: {  	[tilespmem:s13], [sflag:$0x2] =	stream.indirect_vreg.gather [hbm4b:s6+s3], $0x80, v4, vm0, $0xb8;
	[tilespmem:$0x1C400] =	vst v63  }
0x29f: {  	s11 =	simm.s32 $0x15C00  }
0x2a0: {  	[tilespmem:s11], [sflag:$0x2] =	stream.indirect_vreg.gather [hbm4b:s8+s3], $0x80, v4, vm0, $0xb8;
	[tilespmem:$0x1C400] =	vst v63  }
0x2a1: {  	v4 =	vld [tilespmem:$0x3A8];
	_ =	sdelay $0x4  }
0x2a2: {  	v5 =	vshll.u32 v4, $0x3  }
0x2a3: {  	v4 =	vand.u32 $0x7, v4;
	v5 =	vand.u32 $0xFFFFFFC0, v5  }
0x2a4: {  	v4 =	vor.u32 v4, v5  }
0x2a5: {  	v5 =	vperm.xlane v4, v1;
	_ =	sdelay $0x1  }
0x2a6: {  	v5 =	vadd.s32 v2, v5;
	_ =	sdelay $0x3  }
0x2a7: {  	s12 =	simm.s32 $0x16400  }
0x2a8: {  	[tilespmem:s12], [sflag:$0x2] =	stream.indirect_vreg.gather [hbm4b:s2+s3], $0x80, v5, vm0, $0xb8;
	[tilespmem:$0x1C400] =	vst v63  }
0x2a9: {  	s13 =	simm.s32 $0x16C00;
	v4 =	vperm.xlane v4, v3  }
0x2aa: {  	[tilespmem:s13], [sflag:$0x2] =	stream.indirect_vreg.gather [hbm4b:s5+s3], $0x80, v5, vm0, $0xb8;
	[tilespmem:$0x1C400] =	vst v63  }
0x2ab: {  	s14 =	simm.s32 $0x17400;
	v4 =	vadd.s32 v2, v4  }
0x2ac: {  	[tilespmem:s14], [sflag:$0x2] =	stream.indirect_vreg.gather [hbm4b:s6+s3], $0x80, v5, vm0, $0xb8;
	[tilespmem:$0x1C400] =	vst v63  }
0x2ad: {  	s15 =	simm.s32 $0x17C00  }
0x2ae: {  	[tilespmem:s15], [sflag:$0x2] =	stream.indirect_vreg.gather [hbm4b:s8+s3], $0x80, v5, vm0, $0xb8;
	[tilespmem:$0x1C400] =	vst v63  }
0x2af: {  	s16 =	simm.s32 $0x18400  }
0x2b0: {  	[tilespmem:s16], [sflag:$0x2] =	stream.indirect_vreg.gather [hbm4b:s2+s3], $0x80, v4, vm0, $0xb8;
	[tilespmem:$0x1C400] =	vst v63  }
0x2b1: {  	s17 =	simm.s32 $0x18C00  }
0x2b2: {  	[tilespmem:s17], [sflag:$0x2] =	stream.indirect_vreg.gather [hbm4b:s5+s3], $0x80, v4, vm0, $0xb8;
	[tilespmem:$0x1C400] =	vst v63  }
0x2b3: {  	s18 =	simm.s32 $0x19400  }
0x2b4: {  	[tilespmem:s18], [sflag:$0x2] =	stream.indirect_vreg.gather [hbm4b:s6+s3], $0x80, v4, vm0, $0xb8;
	[tilespmem:$0x1C400] =	vst v63  }
0x2b5: {  	s26 =	simm.s32 $0x19C00  }
0x2b6: {  	[tilespmem:s26], [sflag:$0x2] =	stream.indirect_vreg.gather [hbm4b:s8+s3], $0x80, v4, vm0, $0xb8;
	[tilespmem:$0x1C400] =	vst v63  }
0x2b7: {  	v4 =	vld.msk [tilespmem:$0x3B8], $0xff;
	_ =	sdelay $0x4  }
0x2b8: {  	v5 =	vshll.u32 v4, $0x3  }
0x2b9: {  	v4 =	vand.u32 $0x7, v4;
	v5 =	vand.u32 $0xFFFFFFC0, v5  }
0x2ba: {  	v4 =	vor.u32 v4, v5  }
0x2bb: {  	v4 =	vperm.xlane v4, v1;
	_ =	sdelay $0x1  }
0x2bc: {  	v4 =	vadd.s32 v2, v4;
	_ =	sdelay $0x3  }
0x2bd: {  	s19 =	simm.s32 $0x1A400  }
0x2be: {  	[tilespmem:s19], [sflag:$0x2] =	stream.indirect_vreg.gather [hbm4b:s2+s3], $0x80, v4, vm0, $0xb8;
	[tilespmem:$0x1C400] =	vst v63  }
0x2bf: {  	s20 =	simm.s32 $0x1AC00  }
0x2c0: {  	[tilespmem:s20], [sflag:$0x2] =	stream.indirect_vreg.gather [hbm4b:s5+s3], $0x80, v4, vm0, $0xb8;
	[tilespmem:$0x1C400] =	vst v63  }
0x2c1: {  	s22 =	simm.s32 $0x1B400  }
0x2c2: {  	[tilespmem:s22], [sflag:$0x2] =	stream.indirect_vreg.gather [hbm4b:s6+s3], $0x80, v4, vm0, $0xb8;
	[tilespmem:$0x1C400] =	vst v63  }
0x2c3: {  	s28 =	simm.s32 $0x1BC00  }
0x2c4: {  	[tilespmem:s28], [sflag:$0x2] =	stream.indirect_vreg.gather [hbm4b:s8+s3], $0x80, v4, vm0, $0xb8;
	[tilespmem:$0x1C400] =	vst v63  }
0x2c5: {  	_ =	swait.ge [sflag:s29], $0xE000  }
0x2c6: {  	[sflag:s29] =	ssyncset.done $0x0  }
0x2c7: {  	s11 =	rddreg [dreg:$0xb];
	[sflag:s29] =	ssyncadd.s32 $0xFFFF2000  }
0x2c8: {  	[hbm4b:s11+s3] =	stream.linear.scatter [tilespmem:s21], [sflag:$0x3], $0xE000, $0x38;
	[tilespmem:$0x1C400] =	vst v63  }
0x2c9: {  	_ =	swait.ge [sflag:s30], $0xE000  }
0x2ca: {  	[sflag:s30] =	ssyncset.done $0x0  }
0x2cb: {  	[sflag:s30] =	ssyncadd.s32 $0xFFFF2000  }
0x2cc: {  	v4 =	vld [tilespmem:$0x3C0];
	_ =	sdelay $0x4  }
0x2cd: {  	v5 =	vshll.u32 v4, $0x3  }
0x2ce: {  	v4 =	vand.u32 $0x7, v4;
	v5 =	vand.u32 $0xFFFFFFC0, v5  }
0x2cf: {  	v4 =	vor.u32 v4, v5  }
0x2d0: {  	v5 =	vperm.xlane v4, v1;
	_ =	sdelay $0x1  }
0x2d1: {  	v5 =	vadd.s32 v2, v5;
	_ =	sdelay $0x4  }
0x2d2: {  	[tilespmem:s21], [sflag:$0x1] =	stream.indirect_vreg.gather [hbm4b:s2+s3], $0x80, v5, vm0, $0xb8;
	[tilespmem:$0x1C400] =	vst v63  }
0x2d3: {  	s12 =	simm.s32 $0xC00;
	v4 =	vperm.xlane v4, v3  }
0x2d4: {  	[tilespmem:s12], [sflag:$0x1] =	stream.indirect_vreg.gather [hbm4b:s5+s3], $0x80, v5, vm0, $0xb8;
	[tilespmem:$0x1C400] =	vst v63  }
0x2d5: {  	s23 =	simm.s32 $0x1400;
	v4 =	vadd.s32 v2, v4  }
0x2d6: {  	[tilespmem:s23], [sflag:$0x1] =	stream.indirect_vreg.gather [hbm4b:s6+s3], $0x80, v5, vm0, $0xb8;
	[tilespmem:$0x1C400] =	vst v63  }
0x2d7: {  	s25 =	simm.s32 $0x1C00  }
0x2d8: {  	[tilespmem:s25], [sflag:$0x1] =	stream.indirect_vreg.gather [hbm4b:s8+s3], $0x80, v5, vm0, $0xb8;
	[tilespmem:$0x1C400] =	vst v63  }
0x2d9: {  	s13 =	simm.s32 $0x2400  }
0x2da: {  	[tilespmem:s13], [sflag:$0x1] =	stream.indirect_vreg.gather [hbm4b:s2+s3], $0x80, v4, vm0, $0xb8;
	[tilespmem:$0x1C400] =	vst v63  }
0x2db: {  	s14 =	simm.s32 $0x2C00  }
0x2dc: {  	[tilespmem:s14], [sflag:$0x1] =	stream.indirect_vreg.gather [hbm4b:s5+s3], $0x80, v4, vm0, $0xb8;
	[tilespmem:$0x1C400] =	vst v63  }
0x2dd: {  	s15 =	simm.s32 $0x3400  }
0x2de: {  	[tilespmem:s15], [sflag:$0x1] =	stream.indirect_vreg.gather [hbm4b:s6+s3], $0x80, v4, vm0, $0xb8;
	[tilespmem:$0x1C400] =	vst v63  }
0x2df: {  	s16 =	simm.s32 $0x3C00  }
0x2e0: {  	[tilespmem:s16], [sflag:$0x1] =	stream.indirect_vreg.gather [hbm4b:s8+s3], $0x80, v4, vm0, $0xb8;
	[tilespmem:$0x1C400] =	vst v63  }
0x2e1: {  	v4 =	vld [tilespmem:$0x3D0];
	_ =	sdelay $0x4  }
0x2e2: {  	v5 =	vshll.u32 v4, $0x3  }
0x2e3: {  	v4 =	vand.u32 $0x7, v4;
	v5 =	vand.u32 $0xFFFFFFC0, v5  }
0x2e4: {  	v4 =	vor.u32 v4, v5  }
0x2e5: {  	v5 =	vperm.xlane v4, v1;
	_ =	sdelay $0x1  }
0x2e6: {  	v5 =	vadd.s32 v2, v5;
	_ =	sdelay $0x3  }
0x2e7: {  	s17 =	simm.s32 $0x4400  }
0x2e8: {  	[tilespmem:s17], [sflag:$0x1] =	stream.indirect_vreg.gather [hbm4b:s2+s3], $0x80, v5, vm0, $0xb8;
	[tilespmem:$0x1C400] =	vst v63  }
0x2e9: {  	s18 =	simm.s32 $0x4C00;
	v4 =	vperm.xlane v4, v3  }
0x2ea: {  	[tilespmem:s18], [sflag:$0x1] =	stream.indirect_vreg.gather [hbm4b:s5+s3], $0x80, v5, vm0, $0xb8;
	[tilespmem:$0x1C400] =	vst v63  }
0x2eb: {  	s19 =	simm.s32 $0x5400;
	v4 =	vadd.s32 v2, v4  }
0x2ec: {  	[tilespmem:s19], [sflag:$0x1] =	stream.indirect_vreg.gather [hbm4b:s6+s3], $0x80, v5, vm0, $0xb8;
	[tilespmem:$0x1C400] =	vst v63  }
0x2ed: {  	s20 =	simm.s32 $0x5C00  }
0x2ee: {  	[tilespmem:s20], [sflag:$0x1] =	stream.indirect_vreg.gather [hbm4b:s8+s3], $0x80, v5, vm0, $0xb8;
	[tilespmem:$0x1C400] =	vst v63  }
0x2ef: {  	s22 =	simm.s32 $0x6400  }
0x2f0: {  	[tilespmem:s22], [sflag:$0x1] =	stream.indirect_vreg.gather [hbm4b:s2+s3], $0x80, v4, vm0, $0xb8;
	[tilespmem:$0x1C400] =	vst v63  }
0x2f1: {  	s23 =	simm.s32 $0x6C00  }
0x2f2: {  	[tilespmem:s23], [sflag:$0x1] =	stream.indirect_vreg.gather [hbm4b:s5+s3], $0x80, v4, vm0, $0xb8;
	[tilespmem:$0x1C400] =	vst v63  }
0x2f3: {  	s25 =	simm.s32 $0x7400  }
0x2f4: {  	[tilespmem:s25], [sflag:$0x1] =	stream.indirect_vreg.gather [hbm4b:s6+s3], $0x80, v4, vm0, $0xb8;
	[tilespmem:$0x1C400] =	vst v63  }
0x2f5: {  	s26 =	simm.s32 $0x7C00  }
0x2f6: {  	[tilespmem:s26], [sflag:$0x1] =	stream.indirect_vreg.gather [hbm4b:s8+s3], $0x80, v4, vm0, $0xb8;
	[tilespmem:$0x1C400] =	vst v63  }
0x2f7: {  	v4 =	vld [tilespmem:$0x3E0];
	_ =	sdelay $0x4  }
0x2f8: {  	v5 =	vshll.u32 v4, $0x3  }
0x2f9: {  	v4 =	vand.u32 $0x7, v4;
	v5 =	vand.u32 $0xFFFFFFC0, v5  }
0x2fa: {  	v4 =	vor.u32 v4, v5  }
0x2fb: {  	v5 =	vperm.xlane v4, v1;
	_ =	sdelay $0x1  }
0x2fc: {  	v5 =	vadd.s32 v2, v5;
	_ =	sdelay $0x3  }
0x2fd: {  	s28 =	simm.s32 $0x8400  }
0x2fe: {  	[tilespmem:s28], [sflag:$0x1] =	stream.indirect_vreg.gather [hbm4b:s2+s3], $0x80, v5, vm0, $0xb8;
	[tilespmem:$0x1C400] =	vst v63  }
0x2ff: {  	s11 =	simm.s32 $0x8C00;
	v4 =	vperm.xlane v4, v3  }
0x300: {  	[tilespmem:s11], [sflag:$0x1] =	stream.indirect_vreg.gather [hbm4b:s5+s3], $0x80, v5, vm0, $0xb8;
	[tilespmem:$0x1C400] =	vst v63  }
0x301: {  	s12 =	simm.s32 $0x9400;
	v4 =	vadd.s32 v2, v4  }
0x302: {  	[tilespmem:s12], [sflag:$0x1] =	stream.indirect_vreg.gather [hbm4b:s6+s3], $0x80, v5, vm0, $0xb8;
	[tilespmem:$0x1C400] =	vst v63  }
0x303: {  	s13 =	simm.s32 $0x9C00  }
0x304: {  	[tilespmem:s13], [sflag:$0x1] =	stream.indirect_vreg.gather [hbm4b:s8+s3], $0x80, v5, vm0, $0xb8;
	[tilespmem:$0x1C400] =	vst v63  }
0x305: {  	s14 =	simm.s32 $0xA400  }
0x306: {  	[tilespmem:s14], [sflag:$0x1] =	stream.indirect_vreg.gather [hbm4b:s2+s3], $0x80, v4, vm0, $0xb8;
	[tilespmem:$0x1C400] =	vst v63  }
0x307: {  	s15 =	simm.s32 $0xAC00  }
0x308: {  	[tilespmem:s15], [sflag:$0x1] =	stream.indirect_vreg.gather [hbm4b:s5+s3], $0x80, v4, vm0, $0xb8;
	[tilespmem:$0x1C400] =	vst v63  }
0x309: {  	s16 =	simm.s32 $0xB400  }
0x30a: {  	[tilespmem:s16], [sflag:$0x1] =	stream.indirect_vreg.gather [hbm4b:s6+s3], $0x80, v4, vm0, $0xb8;
	[tilespmem:$0x1C400] =	vst v63  }
0x30b: {  	s17 =	simm.s32 $0xBC00  }
0x30c: {  	[tilespmem:s17], [sflag:$0x1] =	stream.indirect_vreg.gather [hbm4b:s8+s3], $0x80, v4, vm0, $0xb8;
	[tilespmem:$0x1C400] =	vst v63  }
0x30d: {  	v4 =	vld.msk [tilespmem:$0x3F0], $0xff;
	_ =	sdelay $0x4  }
0x30e: {  	v5 =	vshll.u32 v4, $0x3  }
0x30f: {  	v4 =	vand.u32 $0x7, v4;
	v5 =	vand.u32 $0xFFFFFFC0, v5  }
0x310: {  	v4 =	vor.u32 v4, v5  }
0x311: {  	v4 =	vperm.xlane v4, v1;
	_ =	sdelay $0x1  }
0x312: {  	v4 =	vadd.s32 v2, v4;
	_ =	sdelay $0x3  }
0x313: {  	s18 =	simm.s32 $0xC400  }
0x314: {  	[tilespmem:s18], [sflag:$0x1] =	stream.indirect_vreg.gather [hbm4b:s2+s3], $0x80, v4, vm0, $0xb8;
	[tilespmem:$0x1C400] =	vst v63  }
0x315: {  	s19 =	simm.s32 $0xCC00  }
0x316: {  	[tilespmem:s19], [sflag:$0x1] =	stream.indirect_vreg.gather [hbm4b:s5+s3], $0x80, v4, vm0, $0xb8;
	[tilespmem:$0x1C400] =	vst v63  }
0x317: {  	s20 =	simm.s32 $0xD400  }
0x318: {  	[tilespmem:s20], [sflag:$0x1] =	stream.indirect_vreg.gather [hbm4b:s6+s3], $0x80, v4, vm0, $0xb8;
	[tilespmem:$0x1C400] =	vst v63  }
0x319: {  	s22 =	simm.s32 $0xDC00  }
0x31a: {  	[tilespmem:s22], [sflag:$0x1] =	stream.indirect_vreg.gather [hbm4b:s8+s3], $0x80, v4, vm0, $0xb8;
	[tilespmem:$0x1C400] =	vst v63  }
0x31b: {  	_ =	swait.ge [sflag:s31], $0xE000  }
0x31c: {  	[sflag:s31] =	ssyncset.done $0x0  }
0x31d: {  	s23 =	rddreg [dreg:$0xc];
	[sflag:s31] =	ssyncadd.s32 $0xFFFF2000  }
0x31e: {  	[hbm4b:s23+s3] =	stream.linear.scatter [tilespmem:s24], [sflag:$0x4], $0xE000, $0x38;
	[tilespmem:$0x1C400] =	vst v63  }
0x31f: {  	_ =	swait.ge [sflag:s0], $0xE000  }
0x320: {  	[sflag:s0] =	ssyncset.done $0x0  }
0x321: {  	[sflag:s0] =	ssyncadd.s32 $0xFFFF2000  }
0x322: {  	v4 =	vld.msk [tilespmem:$0x3F8], $0xff;
	_ =	sdelay $0x4  }
0x323: {  	v5 =	vshll.u32 v4, $0x3  }
0x324: {  	v4 =	vand.u32 $0x7, v4;
	v5 =	vand.u32 $0xFFFFFFC0, v5  }
0x325: {  	v4 =	vor.u32 v4, v5  }
0x326: {  	v4 =	vperm.xlane v4, v1;
	_ =	sdelay $0x1  }
0x327: {  	v4 =	vadd.s32 v2, v4;
	_ =	sdelay $0x4  }
0x328: {  	[tilespmem:s24], [sflag:$0x2] =	stream.indirect_vreg.gather [hbm4b:s2+s3], $0x80, v4, vm0, $0xb8;
	[tilespmem:$0x1C400] =	vst v63  }
0x329: {  	s10 =	simm.s32 $0xEC00  }
0x32a: {  	[tilespmem:s10], [sflag:$0x2] =	stream.indirect_vreg.gather [hbm4b:s5+s3], $0x80, v4, vm0, $0xb8;
	[tilespmem:$0x1C400] =	vst v63  }
0x32b: {  	s7 =	simm.s32 $0xF400  }
0x32c: {  	[tilespmem:s7], [sflag:$0x2] =	stream.indirect_vreg.gather [hbm4b:s6+s3], $0x80, v4, vm0, $0xb8;
	[tilespmem:$0x1C400] =	vst v63  }
0x32d: {  	s9 =	simm.s32 $0xFC00  }
0x32e: {  	[tilespmem:s9], [sflag:$0x2] =	stream.indirect_vreg.gather [hbm4b:s8+s3], $0x80, v4, vm0, $0xb8;
	[tilespmem:$0x1C400] =	vst v63  }
0x32f: {  	_ =	swait.ge [sflag:s29], $0xE000  }
0x330: {  	[sflag:s29] =	ssyncset.done $0x0  }
0x331: {  	s25 =	rddreg [dreg:$0xd];
	[sflag:s29] =	ssyncadd.s32 $0xFFFF2000  }
0x332: {  	[hbm4b:s25+s3] =	stream.linear.scatter [tilespmem:s21], [sflag:$0x3], $0xE000, $0x38;
	[tilespmem:$0x1C400] =	vst v63  }
0x333: {  	_ =	swait.ge [sflag:s31], $0x2000  }
0x334: {  	[sflag:s31] =	ssyncset.done $0x0  }
0x335: {  	s26 =	rddreg [dreg:$0xe];
	[sflag:s31] =	ssyncadd.s32 $0xFFFFE000  }
0x336: {  	[hbm4b:s26+s3] =	stream.linear.scatter [tilespmem:s24], [sflag:$0x4], $0x2000, $0x38;
	[tilespmem:$0x1C400] =	vst v63  }
0x337: {  	_ =	swait.ge [sflag:s30], $0xE000  }
0x338: {  	[sflag:s30] =	ssyncset.done $0x0  }
0x339: {  	[sflag:s30] =	ssyncadd.s32 $0xFFFF2000  }
0x33a: {  	_ =	swait.ge [sflag:s0], $0x2000  }
0x33b: {  	s1 =	sadd.s32 $0x1, s1;
	s28 =	rddreg [dreg:$0xf]  }
0x33c: {  	p0 =	sne.s32 s1, s28  }
.Ltmp1:
0x33d: {  	_ = 	snop;
	(pc) =	sbr.rel @p0 .LBB2_1-.Ltmp1, $3  }
0x33e: {  	_ =	sdelay $0x1  }
0x33f: {  	[sflag:s0] =	ssyncset.done $0x0  }
0x340: {  	[sflag:s0] =	ssyncadd.s32 $0xFFFFE000  }
0x341: {  	_ =	sfence.sel $0x180000  }
0x342: {  	[bflag:$0x0] =	sbarrier.arrive $0xFFFF  }
0x343: {  	_ =	strace $0x90000047  }
0x344: {  	s0 =	stileid.u32;
	[bflag:$0x2] =	sbarrier.arrive $0xFFFF  }
0x345: {  	p0 =	sne.s32 s0, $0x0;
	s0 =	rddreg [dreg:$0x3]  }
0x346: {  	s0 =	sadd.s32 @!p0 $0x100000, s0  }
0x347: {  	[sflag:s0] =	ssyncadd.tile.s32 @!p0 $0x1;
	_ =	shalt  }
.Lfunc_end2:
_tile_overlayer_lowered:
.L_overlay_start_2:
0x348: {  	(tag) =	ssettag $0x2  }
0x349: {  	s0 =	rddreg [dreg:$0x0];
	s2 =	stileid.u32  }
0x34a: {  	s1 =	rddreg [dreg:$0x1];
	p0 =	sne.s32 s2, $0x0  }
0x34b: {  	s3 =	rddreg [dreg:$0x2];
	[bflag:$0x3] =	sbarrier.arrive $0xFFFF;
	s2 =	simm.s32 @!p0 $0x1C05  }
0x34c: {  	[timem:s3], [sflag:s2] =	dma.local @!p0 [hbm:s0], s1  }
0x34d: {  	s0 =	simm.s32 @!p0 $0x5  }
0x34e: {  	_ =	swait.ge @!p0 [sflag:s0], s1  }
0x34f: {  	s1 =	ssub.s32 @!p0 $0x0, s1;
	[sflag:s0] =	ssyncset.done @!p0 $0x0  }
0x350: {  	[sflag:s0] =	ssyncadd.s32 @!p0 s1  }
0x351: {  	[bflag:$0x3] =	sbarrier.arrive $0xFFFF  }
0x352: {  	_ =	shalt  }

</sc_bundles>
